<compile_context>
chip_gen: v7x
topology: tpu7x:2x2x1
jax: 0.10.2.dev20260603
libtpu: 0.0.44.dev20260713+nightly
codegen_flags: <defaults>
</compile_context>

<pallas_src>
import functools

import jax
import jax.numpy as jnp
from jax import lax
from jax.experimental import pallas as pl
from jax.experimental.pallas import tpu as pltpu
from jax.experimental.pallas import tpu_sc as plsc

NUM_CODES = 1024
DIM = 64
N_ROWS = 64 * 576
BLOCK_ROWS = 512
SUB_ROWS = 32
N_BLOCKS = N_ROWS // BLOCK_ROWS
COMMIT = 0.25
HROWS, HCOLS = 16, 128


def _vq_block(x_ref, e_ref, idx_ref, msum_ref, esq_ref, iotaf_ref, acc_ref):
    i = pl.program_id(0)

    @pl.when(i == 0)
    def _init():
        acc_ref[0] = 0.0
        e0 = e_ref[...]
        esq_ref[...] = jnp.sum(e0 * e0, axis=1)[None, :]
        iotaf_ref[...] = lax.broadcasted_iota(
            jnp.int32, (1, NUM_CODES), 1).astype(jnp.float32)

    x = x_ref[...]
    x_sq = jnp.sum(x * x, axis=1, keepdims=True)
    mm = lax.dot_general(x, e_ref[...], (((1,), (1,)), ((), ())),
                         preferred_element_type=jnp.float32)
    dist = x_sq + esq_ref[...] - 2.0 * mm
    m = jnp.min(dist, axis=1, keepdims=True)
    enc = jnp.min(jnp.where(dist == m, iotaf_ref[...], float(NUM_CODES)),
                  axis=1).astype(jnp.int32)
    idx_ref[...] = enc
    acc_ref[0] += jnp.sum(m)

    @pl.when(i == N_BLOCKS - 1)
    def _fini():
        msum_ref[...] = jnp.full((1, 1), 1.0) * acc_ref[0]


_vq_call = pl.pallas_call(
    _vq_block,
    grid=(N_BLOCKS,),
    in_specs=[
        pl.BlockSpec((BLOCK_ROWS, DIM), lambda i: (i, 0)),
        pl.BlockSpec((NUM_CODES, DIM), lambda i: (0, 0)),
    ],
    out_specs=[
        pl.BlockSpec((BLOCK_ROWS,), lambda i: (i,)),
        pl.BlockSpec((1, 1), lambda i: (0, 0)),
    ],
    out_shape=[
        jax.ShapeDtypeStruct((N_ROWS,), jnp.int32),
        jax.ShapeDtypeStruct((1, 1), jnp.float32),
    ],
    scratch_shapes=[
        pltpu.VMEM((1, NUM_CODES), jnp.float32),
        pltpu.VMEM((1, NUM_CODES), jnp.float32),
        pltpu.SMEM((1,), jnp.float32),
    ],
)


def _combine_block(counts_ref, msum_ref, loss_ref, perp_ref):
    loss_ref[...] = jnp.full((1, 1), COMMIT / (N_ROWS * DIM)) * msum_ref[0, 0]
    counts = counts_ref[0] + counts_ref[1]
    p = counts * (1.0 / N_ROWS)
    ent = jnp.sum(p * jnp.log(p + 1e-10))
    perp_ref[...] = jnp.exp(jnp.full((1, 1), -ent))


_combine_call = pl.pallas_call(
    _combine_block,
    out_shape=[
        jax.ShapeDtypeStruct((1, 1), jnp.float32),
        jax.ShapeDtypeStruct((1, 1), jnp.float32),
    ],
)


_SC_CORES = 2
_SC_SUBCORES = 16
_NW = _SC_CORES * _SC_SUBCORES
_ROWS_PER_W = N_ROWS // _NW
_VECS_PER_W = _ROWS_PER_W // 16


_HALF_W = _ROWS_PER_W // 2


def _sc_gather_body(table_hbm, idx_hbm, out_hbm, counts_hbm,
                    idx_v, rows0_v, rows1_v, hist_v, zero_v, shared_hist,
                    sem0, sem1, wsem):
    sid = lax.axis_index("s")
    cid = lax.axis_index("c")
    wid = sid * _SC_CORES + cid
    base = wid * _ROWS_PER_W
    pltpu.sync_copy(idx_hbm.at[pl.ds(base, _ROWS_PER_W)], idx_v)
    g0 = pltpu.async_copy(table_hbm.at[idx_v.at[pl.ds(0, _HALF_W)]],
                          rows0_v, sem0)
    g1 = pltpu.async_copy(table_hbm.at[idx_v.at[pl.ds(_HALF_W, _HALF_W)]],
                          rows1_v, sem1)

    zeros16 = jnp.zeros((16,), jnp.float32)
    for r in range(HROWS):
        for c in range(HCOLS // 16):
            hist_v[r, pl.ds(c * 16, 16)] = zeros16
            zero_v[r, pl.ds(c * 16, 16)] = zeros16
    ones16 = jnp.ones((16,), jnp.float32)

    def hist_step(k, carry):
        iv = idx_v[pl.ds(k * 16, 16)]
        plsc.addupdate_scatter(
            hist_v, [iv >> 7, iv & (HCOLS - 1)], ones16)
        return carry

    lax.fori_loop(0, _VECS_PER_W, hist_step, 0, unroll=8)

    row_ids = lax.iota(jnp.int32, 16)

    @pl.when(sid == 0)
    def _zero_shared():
        pltpu.sync_copy(zero_v, shared_hist)

    plsc.subcore_barrier()
    pltpu.sync_copy(hist_v, shared_hist.at[row_ids], add=True)
    plsc.subcore_barrier()

    @pl.when(sid == 0)
    def _emit_counts():
        pltpu.sync_copy(shared_hist, hist_v)
        pltpu.sync_copy(hist_v, counts_hbm.at[cid])

    g0.wait()
    w0 = pltpu.async_copy(rows0_v, out_hbm.at[pl.ds(base, _HALF_W)], wsem)
    g1.wait()
    w1 = pltpu.async_copy(rows1_v, out_hbm.at[pl.ds(base + _HALF_W, _HALF_W)],
                          wsem)
    w0.wait()
    w1.wait()


@functools.cache
def _make_sc_gather():
    return pl.kernel(
        _sc_gather_body,
        out_type=(
            jax.ShapeDtypeStruct((N_ROWS, DIM), jnp.float32),
            jax.ShapeDtypeStruct((_SC_CORES, HROWS, HCOLS), jnp.float32),
        ),
        mesh=plsc.VectorSubcoreMesh(core_axis_name="c", subcore_axis_name="s"),
        scratch_types=[
            pltpu.VMEM((_ROWS_PER_W,), jnp.int32),
            pltpu.VMEM((_HALF_W, DIM), jnp.float32),
            pltpu.VMEM((_HALF_W, DIM), jnp.float32),
            pltpu.VMEM((HROWS, HCOLS), jnp.float32),
            pltpu.VMEM((HROWS, HCOLS), jnp.float32),
            pltpu.VMEM_SHARED((HROWS, HCOLS), jnp.float32),
            pltpu.SemaphoreType.DMA,
            pltpu.SemaphoreType.DMA,
            pltpu.SemaphoreType.DMA,
        ],
        compiler_params=pltpu.CompilerParams(use_tc_tiling_on_sc=False,
                                             needs_layout_passes=False),
    )


@jax.jit
def kernel(inputs, embedding):
    shape = inputs.shape
    flat = inputs.reshape(-1, DIM)
    enc, msum = _vq_call(flat, embedding)
    quantized, counts = _make_sc_gather()(embedding, enc)
    loss, perp = _combine_call(counts, msum)
    return (embedding,
            loss[0, 0],
            quantized.reshape(shape),
            perp[0, 0],
            enc.reshape(shape[0], shape[1]))

# --- scband reference (transcript-rebuilt; emitter-appended) ---
"""Pipeline reference for scband-vector-quantizer-ema-326417514779 (READ-ONLY COPY).

The authoritative reference and input builder live on the scoring server;
editing this copy changes nothing except your own understanding.
"""

import jax, jax.numpy as jnp
import numpy as np

NUM_EMBEDDINGS = 1024
EMBEDDING_DIM = 64
COMMITMENT_COST = 0.25


def setup_inputs(seed: int = 0) -> dict:
    key = jax.random.key(seed)
    k1, k2 = jax.random.split(key)
    inputs = jax.random.normal(k1, (64, 576, EMBEDDING_DIM), dtype=jnp.float32)
    embedding = jax.random.normal(k2, (NUM_EMBEDDINGS, EMBEDDING_DIM), dtype=jnp.float32)
    return {"inputs": inputs, "embedding": embedding}


def reference(inputs, embedding):
    input_shape = inputs.shape
    flat_input = inputs.reshape(-1, EMBEDDING_DIM)
    distances = (
        jnp.sum(flat_input ** 2, axis=1, keepdims=True)
        + jnp.sum(embedding ** 2, axis=1)
        - 2.0 * jnp.matmul(flat_input, embedding.T)
    )
    encoding_indices = jnp.argmin(distances, axis=1)
    encodings = jax.nn.one_hot(encoding_indices, NUM_EMBEDDINGS, dtype=jnp.float32)
    quantized = jnp.matmul(encodings, embedding).reshape(input_shape)
    e_latent_loss = jnp.mean((jax.lax.stop_gradient(quantized) - inputs) ** 2)
    loss = COMMITMENT_COST * e_latent_loss
    quantized_st = inputs + jax.lax.stop_gradient(quantized - inputs)
    avg_probs = jnp.mean(encodings, axis=0)
    perplexity = jnp.exp(-jnp.sum(avg_probs * jnp.log(avg_probs + 1e-10)))
    enc_ind = encoding_indices.reshape(input_shape[0], input_shape[1])
    return (embedding, loss, quantized_st, perplexity, enc_ind)

if __name__ == "__main__":
    import jax
    _d = setup_inputs()
    print(jax.jit(kernel)(*tuple(_d.values())))

</pallas_src>

<mosaic_0001>
#map = affine_map<(d0, d1) -> (0, 0)>
#map1 = affine_map<(d0, d1) -> (0)>
#map2 = affine_map<(d0, d1) -> (0, 0, 0)>
module attributes {stable_mosaic.version = 14 : i64} {
  func.func @_sc_gather_body(%arg0: i32, %arg1: i32, %arg2: memref<1024x64xf32, #tpu.memory_space<hbm>>, %arg3: memref<36864xi32, #tpu.memory_space<hbm>>, %arg4: memref<36864x64xf32, #tpu.memory_space<hbm>>, %arg5: memref<2x16x128xf32, #tpu.memory_space<hbm>>, %arg6: memref<1152xi32, #tpu.memory_space<vmem>>, %arg7: memref<576x64xf32, #tpu.memory_space<vmem>>, %arg8: memref<576x64xf32, #tpu.memory_space<vmem>>, %arg9: memref<16x128xf32, #tpu.memory_space<vmem>>, %arg10: memref<16x128xf32, #tpu.memory_space<vmem>>, %arg11: memref<16x128xf32, #tpu.memory_space<vmem_shared>>, %arg12: memref<!tpu.dma_semaphore, #tpu.memory_space<semaphore_mem>>, %arg13: memref<!tpu.dma_semaphore, #tpu.memory_space<semaphore_mem>>, %arg14: memref<!tpu.dma_semaphore, #tpu.memory_space<semaphore_mem>>) attributes {dimension_semantics = [#tpu.dimension_semantics<core_parallel>, #tpu.dimension_semantics<subcore_parallel>], iteration_bounds = array<i64: 2, 16>, scalar_prefetch = 0 : i64, scratch_operands = 9 : i64, tpu.core_type = #tpu.core_type<sc_vector_subcore>, window_params = [{transform_indices = #map}, {transform_indices = #map1}, {transform_indices = #map}, {transform_indices = #map2}]} {
    %mul3A = arith.constant 2 : i32
    %mul3A_0 = arith.muli %arg1, %mul3A : i32
    %add3A = arith.addi %mul3A_0, %arg0 : i32
    %mul3A_1 = arith.constant 1152 : i32
    %mul3A_2 = arith.muli %add3A, %mul3A_1 : i32
    "tpu.region"() ({
      %run_scoped3A = tpu.sem_alloc : memref<!tpu.dma_semaphore, #tpu.memory_space<semaphore_mem>>
      %dma_start3A_1078 = tpu.memref_slice %arg3[%mul3A_2] : memref<36864xi32, #tpu.memory_space<hbm>> -> memref<1152xi32, #tpu.memory_space<hbm>>
      %dma_start3A_1079 = tpu.memref_slice %arg3[%mul3A_2] : memref<36864xi32, #tpu.memory_space<hbm>> -> memref<1152xi32, #tpu.memory_space<hbm>>
      tpu.enqueue_dma source(%dma_start3A_1079 : memref<1152xi32, #tpu.memory_space<hbm>>) target(%arg6 : memref<1152xi32, #tpu.memory_space<vmem>>) target_semaphore(%run_scoped3A : memref<!tpu.dma_semaphore, #tpu.memory_space<semaphore_mem>>)
      %dma_wait3A_1080 = tpu.memref_slice %arg3[%mul3A_2] : memref<36864xi32, #tpu.memory_space<hbm>> -> memref<1152xi32, #tpu.memory_space<hbm>>
      %dma_wait3A_1081 = tpu.memref_slice %arg3[%mul3A_2] : memref<36864xi32, #tpu.memory_space<hbm>> -> memref<1152xi32, #tpu.memory_space<hbm>>
      tpu.wait_dma2 semaphore(%run_scoped3A : memref<!tpu.dma_semaphore, #tpu.memory_space<semaphore_mem>>) src(%dma_wait3A_1081 : memref<1152xi32, #tpu.memory_space<hbm>>) dst(%arg6 : memref<1152xi32, #tpu.memory_space<vmem>>)
      tpu.yield
    }) : () -> ()
    %dma_start3A = arith.constant 0 : i32
    %dma_start3A_3 = tpu.memref_slice %arg6[%dma_start3A] : memref<1152xi32, #tpu.memory_space<vmem>> -> memref<576xi32, #tpu.memory_space<vmem>>
    %dma_start3A_4 = arith.constant 0 : i32
    %dma_start3A_5 = arith.constant 0 : i32
    %dma_start3A_6 = tpu.memref_slice %arg2[%dma_start3A_4, %dma_start3A_5] : memref<1024x64xf32, #tpu.memory_space<hbm>> -> memref<1024x64xf32, #tpu.memory_space<hbm>>
    tpu.enqueue_indirect_dma source(%dma_start3A_6 : memref<1024x64xf32, #tpu.memory_space<hbm>>) target(%arg7 : memref<576x64xf32, #tpu.memory_space<vmem>>) offsets(%dma_start3A_3 : memref<576xi32, #tpu.memory_space<vmem>>) semaphore(%arg12 : memref<!tpu.dma_semaphore, #tpu.memory_space<semaphore_mem>>)
    %dma_start3A_7 = arith.constant 576 : i32
    %dma_start3A_8 = tpu.memref_slice %arg6[%dma_start3A_7] : memref<1152xi32, #tpu.memory_space<vmem>> -> memref<576xi32, #tpu.memory_space<vmem>>
    %dma_start3A_9 = arith.constant 0 : i32
    %dma_start3A_10 = arith.constant 0 : i32
    %dma_start3A_11 = tpu.memref_slice %arg2[%dma_start3A_9, %dma_start3A_10] : memref<1024x64xf32, #tpu.memory_space<hbm>> -> memref<1024x64xf32, #tpu.memory_space<hbm>>
    tpu.enqueue_indirect_dma source(%dma_start3A_11 : memref<1024x64xf32, #tpu.memory_space<hbm>>) target(%arg8 : memref<576x64xf32, #tpu.memory_space<vmem>>) offsets(%dma_start3A_8 : memref<576xi32, #tpu.memory_space<vmem>>) semaphore(%arg13 : memref<!tpu.dma_semaphore, #tpu.memory_space<semaphore_mem>>)
    %broadcast_in_dim3A = arith.constant 0.000000e+00 : f32
    %broadcast_in_dim3A_12 = vector.broadcast %broadcast_in_dim3A : f32 to vector<16xf32>
    %swap3A = arith.constant 0 : i32
    %swap3A_13 = arith.index_cast %swap3A : i32 to index
    %swap3A_14 = arith.constant 0 : index
    %swap3A_15 = tpu.vector_load %arg9[%swap3A_13, %swap3A_14] {strides = array<i32>} : memref<16x128xf32, #tpu.memory_space<vmem>>, vector<16xf32>,
    tpu.vector_store %arg9[%swap3A_13, %swap3A_14], %broadcast_in_dim3A_12 {strides = array<i32>} : memref<16x128xf32, #tpu.memory_space<vmem>>, vector<16xf32>,
    %swap3A_16 = arith.constant 0 : i32
    %swap3A_17 = arith.index_cast %swap3A_16 : i32 to index
    %swap3A_18 = arith.constant 0 : index
    %swap3A_19 = tpu.vector_load %arg10[%swap3A_17, %swap3A_18] {strides = array<i32>} : memref<16x128xf32, #tpu.memory_space<vmem>>, vector<16xf32>,
    tpu.vector_store %arg10[%swap3A_17, %swap3A_18], %broadcast_in_dim3A_12 {strides = array<i32>} : memref<16x128xf32, #tpu.memory_space<vmem>>, vector<16xf32>,
    %swap3A_20 = arith.constant 0 : i32
    %swap3A_21 = arith.index_cast %swap3A_20 : i32 to index
    %swap3A_22 = arith.constant 16 : index
    %swap3A_23 = tpu.vector_load %arg9[%swap3A_21, %swap3A_22] {strides = array<i32>} : memref<16x128xf32, #tpu.memory_space<vmem>>, vector<16xf32>,
    tpu.vector_store %arg9[%swap3A_21, %swap3A_22], %broadcast_in_dim3A_12 {strides = array<i32>} : memref<16x128xf32, #tpu.memory_space<vmem>>, vector<16xf32>,
    %swap3A_24 = arith.constant 0 : i32
    %swap3A_25 = arith.index_cast %swap3A_24 : i32 to index
    %swap3A_26 = arith.constant 16 : index
    %swap3A_27 = tpu.vector_load %arg10[%swap3A_25, %swap3A_26] {strides = array<i32>} : memref<16x128xf32, #tpu.memory_space<vmem>>, vector<16xf32>,
    tpu.vector_store %arg10[%swap3A_25, %swap3A_26], %broadcast_in_dim3A_12 {strides = array<i32>} : memref<16x128xf32, #tpu.memory_space<vmem>>, vector<16xf32>,
    %swap3A_28 = arith.constant 0 : i32
    %swap3A_29 = arith.index_cast %swap3A_28 : i32 to index
    %swap3A_30 = arith.constant 32 : index
    %swap3A_31 = tpu.vector_load %arg9[%swap3A_29, %swap3A_30] {strides = array<i32>} : memref<16x128xf32, #tpu.memory_space<vmem>>, vector<16xf32>,
    tpu.vector_store %arg9[%swap3A_29, %swap3A_30], %broadcast_in_dim3A_12 {strides = array<i32>} : memref<16x128xf32, #tpu.memory_space<vmem>>, vector<16xf32>,
    %swap3A_32 = arith.constant 0 : i32
    %swap3A_33 = arith.index_cast %swap3A_32 : i32 to index
    %swap3A_34 = arith.constant 32 : index
    %swap3A_35 = tpu.vector_load %arg10[%swap3A_33, %swap3A_34] {strides = array<i32>} : memref<16x128xf32, #tpu.memory_space<vmem>>, vector<16xf32>,
    tpu.vector_store %arg10[%swap3A_33, %swap3A_34], %broadcast_in_dim3A_12 {strides = array<i32>} : memref<16x128xf32, #tpu.memory_space<vmem>>, vector<16xf32>,
    %swap3A_36 = arith.constant 0 : i32
    %swap3A_37 = arith.index_cast %swap3A_36 : i32 to index
    %swap3A_38 = arith.constant 48 : index
    %swap3A_39 = tpu.vector_load %arg9[%swap3A_37, %swap3A_38] {strides = array<i32>} : memref<16x128xf32, #tpu.memory_space<vmem>>, vector<16xf32>,
    tpu.vector_store %arg9[%swap3A_37, %swap3A_38], %broadcast_in_dim3A_12 {strides = array<i32>} : memref<16x128xf32, #tpu.memory_space<vmem>>, vector<16xf32>,
    %swap3A_40 = arith.constant 0 : i32
    %swap3A_41 = arith.index_cast %swap3A_40 : i32 to index
    %swap3A_42 = arith.constant 48 : index
    %swap3A_43 = tpu.vector_load %arg10[%swap3A_41, %swap3A_42] {strides = array<i32>} : memref<16x128xf32, #tpu.memory_space<vmem>>, vector<16xf32>,
    tpu.vector_store %arg10[%swap3A_41, %swap3A_42], %broadcast_in_dim3A_12 {strides = array<i32>} : memref<16x128xf32, #tpu.memory_space<vmem>>, vector<16xf32>,
    %swap3A_44 = arith.constant 0 : i32
    %swap3A_45 = arith.index_cast %swap3A_44 : i32 to index
    %swap3A_46 = arith.constant 64 : index
    %swap3A_47 = tpu.vector_load %arg9[%swap3A_45, %swap3A_46] {strides = array<i32>} : memref<16x128xf32, #tpu.memory_space<vmem>>, vector<16xf32>,
    tpu.vector_store %arg9[%swap3A_45, %swap3A_46], %broadcast_in_dim3A_12 {strides = array<i32>} : memref<16x128xf32, #tpu.memory_space<vmem>>, vector<16xf32>,
    %swap3A_48 = arith.constant 0 : i32
    %swap3A_49 = arith.index_cast %swap3A_48 : i32 to index
    %swap3A_50 = arith.constant 64 : index
    %swap3A_51 = tpu.vector_load %arg10[%swap3A_49, %swap3A_50] {strides = array<i32>} : memref<16x128xf32, #tpu.memory_space<vmem>>, vector<16xf32>,
    tpu.vector_store %arg10[%swap3A_49, %swap3A_50], %broadcast_in_dim3A_12 {strides = array<i32>} : memref<16x128xf32, #tpu.memory_space<vmem>>, vector<16xf32>,
    %swap3A_52 = arith.constant 0 : i32
    %swap3A_53 = arith.index_cast %swap3A_52 : i32 to index
    %swap3A_54 = arith.constant 80 : index
    %swap3A_55 = tpu.vector_load %arg9[%swap3A_53, %swap3A_54] {strides = array<i32>} : memref<16x128xf32, #tpu.memory_space<vmem>>, vector<16xf32>,
    tpu.vector_store %arg9[%swap3A_53, %swap3A_54], %broadcast_in_dim3A_12 {strides = array<i32>} : memref<16x128xf32, #tpu.memory_space<vmem>>, vector<16xf32>,
    %swap3A_56 = arith.constant 0 : i32
    %swap3A_57 = arith.index_cast %swap3A_56 : i32 to index
    %swap3A_58 = arith.constant 80 : index
    %swap3A_59 = tpu.vector_load %arg10[%swap3A_57, %swap3A_58] {strides = array<i32>} : memref<16x128xf32, #tpu.memory_space<vmem>>, vector<16xf32>,
    tpu.vector_store %arg10[%swap3A_57, %swap3A_58], %broadcast_in_dim3A_12 {strides = array<i32>} : memref<16x128xf32, #tpu.memory_space<vmem>>, vector<16xf32>,
    %swap3A_60 = arith.constant 0 : i32
    %swap3A_61 = arith.index_cast %swap3A_60 : i32 to index
    %swap3A_62 = arith.constant 96 : index
    %swap3A_63 = tpu.vector_load %arg9[%swap3A_61, %swap3A_62] {strides = array<i32>} : memref<16x128xf32, #tpu.memory_space<vmem>>, vector<16xf32>,
    tpu.vector_store %arg9[%swap3A_61, %swap3A_62], %broadcast_in_dim3A_12 {strides = array<i32>} : memref<16x128xf32, #tpu.memory_space<vmem>>, vector<16xf32>,
    %swap3A_64 = arith.constant 0 : i32
    %swap3A_65 = arith.index_cast %swap3A_64 : i32 to index
    %swap3A_66 = arith.constant 96 : index
    %swap3A_67 = tpu.vector_load %arg10[%swap3A_65, %swap3A_66] {strides = array<i32>} : memref<16x128xf32, #tpu.memory_space<vmem>>, vector<16xf32>,
    tpu.vector_store %arg10[%swap3A_65, %swap3A_66], %broadcast_in_dim3A_12 {strides = array<i32>} : memref<16x128xf32, #tpu.memory_space<vmem>>, vector<16xf32>,
    %swap3A_68 = arith.constant 0 : i32
    %swap3A_69 = arith.index_cast %swap3A_68 : i32 to index
    %swap3A_70 = arith.constant 112 : index
    %swap3A_71 = tpu.vector_load %arg9[%swap3A_69, %swap3A_70] {strides = array<i32>} : memref<16x128xf32, #tpu.memory_space<vmem>>, vector<16xf32>,
    tpu.vector_store %arg9[%swap3A_69, %swap3A_70], %broadcast_in_dim3A_12 {strides = array<i32>} : memref<16x128xf32, #tpu.memory_space<vmem>>, vector<16xf32>,
    %swap3A_72 = arith.constant 0 : i32
    %swap3A_73 = arith.index_cast %swap3A_72 : i32 to index
    %swap3A_74 = arith.constant 112 : index
    %swap3A_75 = tpu.vector_load %arg10[%swap3A_73, %swap3A_74] {strides = array<i32>} : memref<16x128xf32, #tpu.memory_space<vmem>>, vector<16xf32>,
    tpu.vector_store %arg10[%swap3A_73, %swap3A_74], %broadcast_in_dim3A_12 {strides = array<i32>} : memref<16x128xf32, #tpu.memory_space<vmem>>, vector<16xf32>,
    %swap3A_76 = arith.constant 1 : i32
    %swap3A_77 = arith.index_cast %swap3A_76 : i32 to index
    %swap3A_78 = arith.constant 0 : index
    %swap3A_79 = tpu.vector_load %arg9[%swap3A_77, %swap3A_78] {strides = array<i32>} : memref<16x128xf32, #tpu.memory_space<vmem>>, vector<16xf32>,
    tpu.vector_store %arg9[%swap3A_77, %swap3A_78], %broadcast_in_dim3A_12 {strides = array<i32>} : memref<16x128xf32, #tpu.memory_space<vmem>>, vector<16xf32>,
    %swap3A_80 = arith.constant 1 : i32
    %swap3A_81 = arith.index_cast %swap3A_80 : i32 to index
    %swap3A_82 = arith.constant 0 : index
    %swap3A_83 = tpu.vector_load %arg10[%swap3A_81, %swap3A_82] {strides = array<i32>} : memref<16x128xf32, #tpu.memory_space<vmem>>, vector<16xf32>,
    tpu.vector_store %arg10[%swap3A_81, %swap3A_82], %broadcast_in_dim3A_12 {strides = array<i32>} : memref<16x128xf32, #tpu.memory_space<vmem>>, vector<16xf32>,
    %swap3A_84 = arith.constant 1 : i32
    %swap3A_85 = arith.index_cast %swap3A_84 : i32 to index
    %swap3A_86 = arith.constant 16 : index
    %swap3A_87 = tpu.vector_load %arg9[%swap3A_85, %swap3A_86] {strides = array<i32>} : memref<16x128xf32, #tpu.memory_space<vmem>>, vector<16xf32>,
    tpu.vector_store %arg9[%swap3A_85, %swap3A_86], %broadcast_in_dim3A_12 {strides = array<i32>} : memref<16x128xf32, #tpu.memory_space<vmem>>, vector<16xf32>,
    %swap3A_88 = arith.constant 1 : i32
    %swap3A_89 = arith.index_cast %swap3A_88 : i32 to index
    %swap3A_90 = arith.constant 16 : index
    %swap3A_91 = tpu.vector_load %arg10[%swap3A_89, %swap3A_90] {strides = array<i32>} : memref<16x128xf32, #tpu.memory_space<vmem>>, vector<16xf32>,
    tpu.vector_store %arg10[%swap3A_89, %swap3A_90], %broadcast_in_dim3A_12 {strides = array<i32>} : memref<16x128xf32, #tpu.memory_space<vmem>>, vector<16xf32>,
    %swap3A_92 = arith.constant 1 : i32
    %swap3A_93 = arith.index_cast %swap3A_92 : i32 to index
    %swap3A_94 = arith.constant 32 : index
    %swap3A_95 = tpu.vector_load %arg9[%swap3A_93, %swap3A_94] {strides = array<i32>} : memref<16x128xf32, #tpu.memory_space<vmem>>, vector<16xf32>,
    tpu.vector_store %arg9[%swap3A_93, %swap3A_94], %broadcast_in_dim3A_12 {strides = array<i32>} : memref<16x128xf32, #tpu.memory_space<vmem>>, vector<16xf32>,
    %swap3A_96 = arith.constant 1 : i32
    %swap3A_97 = arith.index_cast %swap3A_96 : i32 to index
    %swap3A_98 = arith.constant 32 : index
    %swap3A_99 = tpu.vector_load %arg10[%swap3A_97, %swap3A_98] {strides = array<i32>} : memref<16x128xf32, #tpu.memory_space<vmem>>, vector<16xf32>,
    tpu.vector_store %arg10[%swap3A_97, %swap3A_98], %broadcast_in_dim3A_12 {strides = array<i32>} : memref<16x128xf32, #tpu.memory_space<vmem>>, vector<16xf32>,
    %swap3A_100 = arith.constant 1 : i32
    %swap3A_101 = arith.index_cast %swap3A_100 : i32 to index
    %swap3A_102 = arith.constant 48 : index
    %swap3A_103 = tpu.vector_load %arg9[%swap3A_101, %swap3A_102] {strides = array<i32>} : memref<16x128xf32, #tpu.memory_space<vmem>>, vector<16xf32>,
    tpu.vector_store %arg9[%swap3A_101, %swap3A_102], %broadcast_in_dim3A_12 {strides = array<i32>} : memref<16x128xf32, #tpu.memory_space<vmem>>, vector<16xf32>,
    %swap3A_104 = arith.constant 1 : i32
    %swap3A_105 = arith.index_cast %swap3A_104 : i32 to index
    %swap3A_106 = arith.constant 48 : index
    %swap3A_107 = tpu.vector_load %arg10[%swap3A_105, %swap3A_106] {strides = array<i32>} : memref<16x128xf32, #tpu.memory_space<vmem>>, vector<16xf32>,
    tpu.vector_store %arg10[%swap3A_105, %swap3A_106], %broadcast_in_dim3A_12 {strides = array<i32>} : memref<16x128xf32, #tpu.memory_space<vmem>>, vector<16xf32>,
    %swap3A_108 = arith.constant 1 : i32
    %swap3A_109 = arith.index_cast %swap3A_108 : i32 to index
    %swap3A_110 = arith.constant 64 : index
    %swap3A_111 = tpu.vector_load %arg9[%swap3A_109, %swap3A_110] {strides = array<i32>} : memref<16x128xf32, #tpu.memory_space<vmem>>, vector<16xf32>,
    tpu.vector_store %arg9[%swap3A_109, %swap3A_110], %broadcast_in_dim3A_12 {strides = array<i32>} : memref<16x128xf32, #tpu.memory_space<vmem>>, vector<16xf32>,
    %swap3A_112 = arith.constant 1 : i32
    %swap3A_113 = arith.index_cast %swap3A_112 : i32 to index
    %swap3A_114 = arith.constant 64 : index
    %swap3A_115 = tpu.vector_load %arg10[%swap3A_113, %swap3A_114] {strides = array<i32>} : memref<16x128xf32, #tpu.memory_space<vmem>>, vector<16xf32>,
    tpu.vector_store %arg10[%swap3A_113, %swap3A_114], %broadcast_in_dim3A_12 {strides = array<i32>} : memref<16x128xf32, #tpu.memory_space<vmem>>, vector<16xf32>,
    %swap3A_116 = arith.constant 1 : i32
    %swap3A_117 = arith.index_cast %swap3A_116 : i32 to index
    %swap3A_118 = arith.constant 80 : index
    %swap3A_119 = tpu.vector_load %arg9[%swap3A_117, %swap3A_118] {strides = array<i32>} : memref<16x128xf32, #tpu.memory_space<vmem>>, vector<16xf32>,
    tpu.vector_store %arg9[%swap3A_117, %swap3A_118], %broadcast_in_dim3A_12 {strides = array<i32>} : memref<16x128xf32, #tpu.memory_space<vmem>>, vector<16xf32>,
    %swap3A_120 = arith.constant 1 : i32
    %swap3A_121 = arith.index_cast %swap3A_120 : i32 to index
    %swap3A_122 = arith.constant 80 : index
    %swap3A_123 = tpu.vector_load %arg10[%swap3A_121, %swap3A_122] {strides = array<i32>} : memref<16x128xf32, #tpu.memory_space<vmem>>, vector<16xf32>,
    tpu.vector_store %arg10[%swap3A_121, %swap3A_122], %broadcast_in_dim3A_12 {strides = array<i32>} : memref<16x128xf32, #tpu.memory_space<vmem>>, vector<16xf32>,
    %swap3A_124 = arith.constant 1 : i32
    %swap3A_125 = arith.index_cast %swap3A_124 : i32 to index
    %swap3A_126 = arith.constant 96 : index
    %swap3A_127 = tpu.vector_load %arg9[%swap3A_125, %swap3A_126] {strides = array<i32>} : memref<16x128xf32, #tpu.memory_space<vmem>>, vector<16xf32>,
    tpu.vector_store %arg9[%swap3A_125, %swap3A_126], %broadcast_in_dim3A_12 {strides = array<i32>} : memref<16x128xf32, #tpu.memory_space<vmem>>, vector<16xf32>,
    %swap3A_128 = arith.constant 1 : i32
    %swap3A_129 = arith.index_cast %swap3A_128 : i32 to index
    %swap3A_130 = arith.constant 96 : index
    %swap3A_131 = tpu.vector_load %arg10[%swap3A_129, %swap3A_130] {strides = array<i32>} : memref<16x128xf32, #tpu.memory_space<vmem>>, vector<16xf32>,
    tpu.vector_store %arg10[%swap3A_129, %swap3A_130], %broadcast_in_dim3A_12 {strides = array<i32>} : memref<16x128xf32, #tpu.memory_space<vmem>>, vector<16xf32>,
    %swap3A_132 = arith.constant 1 : i32
    %swap3A_133 = arith.index_cast %swap3A_132 : i32 to index
    %swap3A_134 = arith.constant 112 : index
    %swap3A_135 = tpu.vector_load %arg9[%swap3A_133, %swap3A_134] {strides = array<i32>} : memref<16x128xf32, #tpu.memory_space<vmem>>, vector<16xf32>,
    tpu.vector_store %arg9[%swap3A_133, %swap3A_134], %broadcast_in_dim3A_12 {strides = array<i32>} : memref<16x128xf32, #tpu.memory_space<vmem>>, vector<16xf32>,
    %swap3A_136 = arith.constant 1 : i32
    %swap3A_137 = arith.index_cast %swap3A_136 : i32 to index
    %swap3A_138 = arith.constant 112 : index
    %swap3A_139 = tpu.vector_load %arg10[%swap3A_137, %swap3A_138] {strides = array<i32>} : memref<16x128xf32, #tpu.memory_space<vmem>>, vector<16xf32>,
    tpu.vector_store %arg10[%swap3A_137, %swap3A_138], %broadcast_in_dim3A_12 {strides = array<i32>} : memref<16x128xf32, #tpu.memory_space<vmem>>, vector<16xf32>,
    %swap3A_140 = arith.constant 2 : i32
    %swap3A_141 = arith.index_cast %swap3A_140 : i32 to index
    %swap3A_142 = arith.constant 0 : index
    %swap3A_143 = tpu.vector_load %arg9[%swap3A_141, %swap3A_142] {strides = array<i32>} : memref<16x128xf32, #tpu.memory_space<vmem>>, vector<16xf32>,
    tpu.vector_store %arg9[%swap3A_141, %swap3A_142], %broadcast_in_dim3A_12 {strides = array<i32>} : memref<16x128xf32, #tpu.memory_space<vmem>>, vector<16xf32>,
    %swap3A_144 = arith.constant 2 : i32
    %swap3A_145 = arith.index_cast %swap3A_144 : i32 to index
    %swap3A_146 = arith.constant 0 : index
    %swap3A_147 = tpu.vector_load %arg10[%swap3A_145, %swap3A_146] {strides = array<i32>} : memref<16x128xf32, #tpu.memory_space<vmem>>, vector<16xf32>,
    tpu.vector_store %arg10[%swap3A_145, %swap3A_146], %broadcast_in_dim3A_12 {strides = array<i32>} : memref<16x128xf32, #tpu.memory_space<vmem>>, vector<16xf32>,
    %swap3A_148 = arith.constant 2 : i32
    %swap3A_149 = arith.index_cast %swap3A_148 : i32 to index
    %swap3A_150 = arith.constant 16 : index
    %swap3A_151 = tpu.vector_load %arg9[%swap3A_149, %swap3A_150] {strides = array<i32>} : memref<16x128xf32, #tpu.memory_space<vmem>>, vector<16xf32>,
    tpu.vector_store %arg9[%swap3A_149, %swap3A_150], %broadcast_in_dim3A_12 {strides = array<i32>} : memref<16x128xf32, #tpu.memory_space<vmem>>, vector<16xf32>,
    %swap3A_152 = arith.constant 2 : i32
    %swap3A_153 = arith.index_cast %swap3A_152 : i32 to index
    %swap3A_154 = arith.constant 16 : index
    %swap3A_155 = tpu.vector_load %arg10[%swap3A_153, %swap3A_154] {strides = array<i32>} : memref<16x128xf32, #tpu.memory_space<vmem>>, vector<16xf32>,
    tpu.vector_store %arg10[%swap3A_153, %swap3A_154], %broadcast_in_dim3A_12 {strides = array<i32>} : memref<16x128xf32, #tpu.memory_space<vmem>>, vector<16xf32>,
    %swap3A_156 = arith.constant 2 : i32
    %swap3A_157 = arith.index_cast %swap3A_156 : i32 to index
    %swap3A_158 = arith.constant 32 : index
    %swap3A_159 = tpu.vector_load %arg9[%swap3A_157, %swap3A_158] {strides = array<i32>} : memref<16x128xf32, #tpu.memory_space<vmem>>, vector<16xf32>,
    tpu.vector_store %arg9[%swap3A_157, %swap3A_158], %broadcast_in_dim3A_12 {strides = array<i32>} : memref<16x128xf32, #tpu.memory_space<vmem>>, vector<16xf32>,
    %swap3A_160 = arith.constant 2 : i32
    %swap3A_161 = arith.index_cast %swap3A_160 : i32 to index
    %swap3A_162 = arith.constant 32 : index
    %swap3A_163 = tpu.vector_load %arg10[%swap3A_161, %swap3A_162] {strides = array<i32>} : memref<16x128xf32, #tpu.memory_space<vmem>>, vector<16xf32>,
    tpu.vector_store %arg10[%swap3A_161, %swap3A_162], %broadcast_in_dim3A_12 {strides = array<i32>} : memref<16x128xf32, #tpu.memory_space<vmem>>, vector<16xf32>,
    %swap3A_164 = arith.constant 2 : i32
    %swap3A_165 = arith.index_cast %swap3A_164 : i32 to index
    %swap3A_166 = arith.constant 48 : index
    %swap3A_167 = tpu.vector_load %arg9[%swap3A_165, %swap3A_166] {strides = array<i32>} : memref<16x128xf32, #tpu.memory_space<vmem>>, vector<16xf32>,
    tpu.vector_store %arg9[%swap3A_165, %swap3A_166], %broadcast_in_dim3A_12 {strides = array<i32>} : memref<16x128xf32, #tpu.memory_space<vmem>>, vector<16xf32>,
    %swap3A_168 = arith.constant 2 : i32
    %swap3A_169 = arith.index_cast %swap3A_168 : i32 to index
    %swap3A_170 = arith.constant 48 : index
    %swap3A_171 = tpu.vector_load %arg10[%swap3A_169, %swap3A_170] {strides = array<i32>} : memref<16x128xf32, #tpu.memory_space<vmem>>, vector<16xf32>,
    tpu.vector_store %arg10[%swap3A_169, %swap3A_170], %broadcast_in_dim3A_12 {strides = array<i32>} : memref<16x128xf32, #tpu.memory_space<vmem>>, vector<16xf32>,
    %swap3A_172 = arith.constant 2 : i32
    %swap3A_173 = arith.index_cast %swap3A_172 : i32 to index
    %swap3A_174 = arith.constant 64 : index
    %swap3A_175 = tpu.vector_load %arg9[%swap3A_173, %swap3A_174] {strides = array<i32>} : memref<16x128xf32, #tpu.memory_space<vmem>>, vector<16xf32>,
    tpu.vector_store %arg9[%swap3A_173, %swap3A_174], %broadcast_in_dim3A_12 {strides = array<i32>} : memref<16x128xf32, #tpu.memory_space<vmem>>, vector<16xf32>,
    %swap3A_176 = arith.constant 2 : i32
    %swap3A_177 = arith.index_cast %swap3A_176 : i32 to index
    %swap3A_178 = arith.constant 64 : index
    %swap3A_179 = tpu.vector_load %arg10[%swap3A_177, %swap3A_178] {strides = array<i32>} : memref<16x128xf32, #tpu.memory_space<vmem>>, vector<16xf32>,
    tpu.vector_store %arg10[%swap3A_177, %swap3A_178], %broadcast_in_dim3A_12 {strides = array<i32>} : memref<16x128xf32, #tpu.memory_space<vmem>>, vector<16xf32>,
    %swap3A_180 = arith.constant 2 : i32
    %swap3A_181 = arith.index_cast %swap3A_180 : i32 to index
    %swap3A_182 = arith.constant 80 : index
    %swap3A_183 = tpu.vector_load %arg9[%swap3A_181, %swap3A_182] {strides = array<i32>} : memref<16x128xf32, #tpu.memory_space<vmem>>, vector<16xf32>,
    tpu.vector_store %arg9[%swap3A_181, %swap3A_182], %broadcast_in_dim3A_12 {strides = array<i32>} : memref<16x128xf32, #tpu.memory_space<vmem>>, vector<16xf32>,
    %swap3A_184 = arith.constant 2 : i32
    %swap3A_185 = arith.index_cast %swap3A_184 : i32 to index
    %swap3A_186 = arith.constant 80 : index
    %swap3A_187 = tpu.vector_load %arg10[%swap3A_185, %swap3A_186] {strides = array<i32>} : memref<16x128xf32, #tpu.memory_space<vmem>>, vector<16xf32>,
    tpu.vector_store %arg10[%swap3A_185, %swap3A_186], %broadcast_in_dim3A_12 {strides = array<i32>} : memref<16x128xf32, #tpu.memory_space<vmem>>, vector<16xf32>,
    %swap3A_188 = arith.constant 2 : i32
    %swap3A_189 = arith.index_cast %swap3A_188 : i32 to index
    %swap3A_190 = arith.constant 96 : index
    %swap3A_191 = tpu.vector_load %arg9[%swap3A_189, %swap3A_190] {strides = array<i32>} : memref<16x128xf32, #tpu.memory_space<vmem>>, vector<16xf32>,
    tpu.vector_store %arg9[%swap3A_189, %swap3A_190], %broadcast_in_dim3A_12 {strides = array<i32>} : memref<16x128xf32, #tpu.memory_space<vmem>>, vector<16xf32>,
    %swap3A_192 = arith.constant 2 : i32
    %swap3A_193 = arith.index_cast %swap3A_192 : i32 to index
    %swap3A_194 = arith.constant 96 : index
    %swap3A_195 = tpu.vector_load %arg10[%swap3A_193, %swap3A_194] {strides = array<i32>} : memref<16x128xf32, #tpu.memory_space<vmem>>, vector<16xf32>,
    tpu.vector_store %arg10[%swap3A_193, %swap3A_194], %broadcast_in_dim3A_12 {strides = array<i32>} : memref<16x128xf32, #tpu.memory_space<vmem>>, vector<16xf32>,
    %swap3A_196 = arith.constant 2 : i32
    %swap3A_197 = arith.index_cast %swap3A_196 : i32 to index
    %swap3A_198 = arith.constant 112 : index
    %swap3A_199 = tpu.vector_load %arg9[%swap3A_197, %swap3A_198] {strides = array<i32>} : memref<16x128xf32, #tpu.memory_space<vmem>>, vector<16xf32>,
    tpu.vector_store %arg9[%swap3A_197, %swap3A_198], %broadcast_in_dim3A_12 {strides = array<i32>} : memref<16x128xf32, #tpu.memory_space<vmem>>, vector<16xf32>,
    %swap3A_200 = arith.constant 2 : i32
    %swap3A_201 = arith.index_cast %swap3A_200 : i32 to index
    %swap3A_202 = arith.constant 112 : index
    %swap3A_203 = tpu.vector_load %arg10[%swap3A_201, %swap3A_202] {strides = array<i32>} : memref<16x128xf32, #tpu.memory_space<vmem>>, vector<16xf32>,
    tpu.vector_store %arg10[%swap3A_201, %swap3A_202], %broadcast_in_dim3A_12 {strides = array<i32>} : memref<16x128xf32, #tpu.memory_space<vmem>>, vector<16xf32>,
    %swap3A_204 = arith.constant 3 : i32
    %swap3A_205 = arith.index_cast %swap3A_204 : i32 to index
    %swap3A_206 = arith.constant 0 : index
    %swap3A_207 = tpu.vector_load %arg9[%swap3A_205, %swap3A_206] {strides = array<i32>} : memref<16x128xf32, #tpu.memory_space<vmem>>, vector<16xf32>,
    tpu.vector_store %arg9[%swap3A_205, %swap3A_206], %broadcast_in_dim3A_12 {strides = array<i32>} : memref<16x128xf32, #tpu.memory_space<vmem>>, vector<16xf32>,
    %swap3A_208 = arith.constant 3 : i32
    %swap3A_209 = arith.index_cast %swap3A_208 : i32 to index
    %swap3A_210 = arith.constant 0 : index
    %swap3A_211 = tpu.vector_load %arg10[%swap3A_209, %swap3A_210] {strides = array<i32>} : memref<16x128xf32, #tpu.memory_space<vmem>>, vector<16xf32>,
    tpu.vector_store %arg10[%swap3A_209, %swap3A_210], %broadcast_in_dim3A_12 {strides = array<i32>} : memref<16x128xf32, #tpu.memory_space<vmem>>, vector<16xf32>,
    %swap3A_212 = arith.constant 3 : i32
    %swap3A_213 = arith.index_cast %swap3A_212 : i32 to index
    %swap3A_214 = arith.constant 16 : index
    %swap3A_215 = tpu.vector_load %arg9[%swap3A_213, %swap3A_214] {strides = array<i32>} : memref<16x128xf32, #tpu.memory_space<vmem>>, vector<16xf32>,
    tpu.vector_store %arg9[%swap3A_213, %swap3A_214], %broadcast_in_dim3A_12 {strides = array<i32>} : memref<16x128xf32, #tpu.memory_space<vmem>>, vector<16xf32>,
    %swap3A_216 = arith.constant 3 : i32
    %swap3A_217 = arith.index_cast %swap3A_216 : i32 to index
    %swap3A_218 = arith.constant 16 : index
    %swap3A_219 = tpu.vector_load %arg10[%swap3A_217, %swap3A_218] {strides = array<i32>} : memref<16x128xf32, #tpu.memory_space<vmem>>, vector<16xf32>,
    tpu.vector_store %arg10[%swap3A_217, %swap3A_218], %broadcast_in_dim3A_12 {strides = array<i32>} : memref<16x128xf32, #tpu.memory_space<vmem>>, vector<16xf32>,
    %swap3A_220 = arith.constant 3 : i32
    %swap3A_221 = arith.index_cast %swap3A_220 : i32 to index
    %swap3A_222 = arith.constant 32 : index
    %swap3A_223 = tpu.vector_load %arg9[%swap3A_221, %swap3A_222] {strides = array<i32>} : memref<16x128xf32, #tpu.memory_space<vmem>>, vector<16xf32>,
    tpu.vector_store %arg9[%swap3A_221, %swap3A_222], %broadcast_in_dim3A_12 {strides = array<i32>} : memref<16x128xf32, #tpu.memory_space<vmem>>, vector<16xf32>,
    %swap3A_224 = arith.constant 3 : i32
    %swap3A_225 = arith.index_cast %swap3A_224 : i32 to index
    %swap3A_226 = arith.constant 32 : index
    %swap3A_227 = tpu.vector_load %arg10[%swap3A_225, %swap3A_226] {strides = array<i32>} : memref<16x128xf32, #tpu.memory_space<vmem>>, vector<16xf32>,
    tpu.vector_store %arg10[%swap3A_225, %swap3A_226], %broadcast_in_dim3A_12 {strides = array<i32>} : memref<16x128xf32, #tpu.memory_space<vmem>>, vector<16xf32>,
    %swap3A_228 = arith.constant 3 : i32
    %swap3A_229 = arith.index_cast %swap3A_228 : i32 to index
    %swap3A_230 = arith.constant 48 : index
    %swap3A_231 = tpu.vector_load %arg9[%swap3A_229, %swap3A_230] {strides = array<i32>} : memref<16x128xf32, #tpu.memory_space<vmem>>, vector<16xf32>,
    tpu.vector_store %arg9[%swap3A_229, %swap3A_230], %broadcast_in_dim3A_12 {strides = array<i32>} : memref<16x128xf32, #tpu.memory_space<vmem>>, vector<16xf32>,
    %swap3A_232 = arith.constant 3 : i32
    %swap3A_233 = arith.index_cast %swap3A_232 : i32 to index
    %swap3A_234 = arith.constant 48 : index
    %swap3A_235 = tpu.vector_load %arg10[%swap3A_233, %swap3A_234] {strides = array<i32>} : memref<16x128xf32, #tpu.memory_space<vmem>>, vector<16xf32>,
    tpu.vector_store %arg10[%swap3A_233, %swap3A_234], %broadcast_in_dim3A_12 {strides = array<i32>} : memref<16x128xf32, #tpu.memory_space<vmem>>, vector<16xf32>,
    %swap3A_236 = arith.constant 3 : i32
    %swap3A_237 = arith.index_cast %swap3A_236 : i32 to index
    %swap3A_238 = arith.constant 64 : index
    %swap3A_239 = tpu.vector_load %arg9[%swap3A_237, %swap3A_238] {strides = array<i32>} : memref<16x128xf32, #tpu.memory_space<vmem>>, vector<16xf32>,
    tpu.vector_store %arg9[%swap3A_237, %swap3A_238], %broadcast_in_dim3A_12 {strides = array<i32>} : memref<16x128xf32, #tpu.memory_space<vmem>>, vector<16xf32>,
    %swap3A_240 = arith.constant 3 : i32
    %swap3A_241 = arith.index_cast %swap3A_240 : i32 to index
    %swap3A_242 = arith.constant 64 : index
    %swap3A_243 = tpu.vector_load %arg10[%swap3A_241, %swap3A_242] {strides = array<i32>} : memref<16x128xf32, #tpu.memory_space<vmem>>, vector<16xf32>,
    tpu.vector_store %arg10[%swap3A_241, %swap3A_242], %broadcast_in_dim3A_12 {strides = array<i32>} : memref<16x128xf32, #tpu.memory_space<vmem>>, vector<16xf32>,
    %swap3A_244 = arith.constant 3 : i32
    %swap3A_245 = arith.index_cast %swap3A_244 : i32 to index
    %swap3A_246 = arith.constant 80 : index
    %swap3A_247 = tpu.vector_load %arg9[%swap3A_245, %swap3A_246] {strides = array<i32>} : memref<16x128xf32, #tpu.memory_space<vmem>>, vector<16xf32>,
    tpu.vector_store %arg9[%swap3A_245, %swap3A_246], %broadcast_in_dim3A_12 {strides = array<i32>} : memref<16x128xf32, #tpu.memory_space<vmem>>, vector<16xf32>,
    %swap3A_248 = arith.constant 3 : i32
    %swap3A_249 = arith.index_cast %swap3A_248 : i32 to index
    %swap3A_250 = arith.constant 80 : index
    %swap3A_251 = tpu.vector_load %arg10[%swap3A_249, %swap3A_250] {strides = array<i32>} : memref<16x128xf32, #tpu.memory_space<vmem>>, vector<16xf32>,
    tpu.vector_store %arg10[%swap3A_249, %swap3A_250], %broadcast_in_dim3A_12 {strides = array<i32>} : memref<16x128xf32, #tpu.memory_space<vmem>>, vector<16xf32>,
    %swap3A_252 = arith.constant 3 : i32
    %swap3A_253 = arith.index_cast %swap3A_252 : i32 to index
    %swap3A_254 = arith.constant 96 : index
    %swap3A_255 = tpu.vector_load %arg9[%swap3A_253, %swap3A_254] {strides = array<i32>} : memref<16x128xf32, #tpu.memory_space<vmem>>, vector<16xf32>,
    tpu.vector_store %arg9[%swap3A_253, %swap3A_254], %broadcast_in_dim3A_12 {strides = array<i32>} : memref<16x128xf32, #tpu.memory_space<vmem>>, vector<16xf32>,
    %swap3A_256 = arith.constant 3 : i32
    %swap3A_257 = arith.index_cast %swap3A_256 : i32 to index
    %swap3A_258 = arith.constant 96 : index
    %swap3A_259 = tpu.vector_load %arg10[%swap3A_257, %swap3A_258] {strides = array<i32>} : memref<16x128xf32, #tpu.memory_space<vmem>>, vector<16xf32>,
    tpu.vector_store %arg10[%swap3A_257, %swap3A_258], %broadcast_in_dim3A_12 {strides = array<i32>} : memref<16x128xf32, #tpu.memory_space<vmem>>, vector<16xf32>,
    %swap3A_260 = arith.constant 3 : i32
    %swap3A_261 = arith.index_cast %swap3A_260 : i32 to index
    %swap3A_262 = arith.constant 112 : index
    %swap3A_263 = tpu.vector_load %arg9[%swap3A_261, %swap3A_262] {strides = array<i32>} : memref<16x128xf32, #tpu.memory_space<vmem>>, vector<16xf32>,
    tpu.vector_store %arg9[%swap3A_261, %swap3A_262], %broadcast_in_dim3A_12 {strides = array<i32>} : memref<16x128xf32, #tpu.memory_space<vmem>>, vector<16xf32>,
    %swap3A_264 = arith.constant 3 : i32
    %swap3A_265 = arith.index_cast %swap3A_264 : i32 to index
    %swap3A_266 = arith.constant 112 : index
    %swap3A_267 = tpu.vector_load %arg10[%swap3A_265, %swap3A_266] {strides = array<i32>} : memref<16x128xf32, #tpu.memory_space<vmem>>, vector<16xf32>,
    tpu.vector_store %arg10[%swap3A_265, %swap3A_266], %broadcast_in_dim3A_12 {strides = array<i32>} : memref<16x128xf32, #tpu.memory_space<vmem>>, vector<16xf32>,
    %swap3A_268 = arith.constant 4 : i32
    %swap3A_269 = arith.index_cast %swap3A_268 : i32 to index
    %swap3A_270 = arith.constant 0 : index
    %swap3A_271 = tpu.vector_load %arg9[%swap3A_269, %swap3A_270] {strides = array<i32>} : memref<16x128xf32, #tpu.memory_space<vmem>>, vector<16xf32>,
    tpu.vector_store %arg9[%swap3A_269, %swap3A_270], %broadcast_in_dim3A_12 {strides = array<i32>} : memref<16x128xf32, #tpu.memory_space<vmem>>, vector<16xf32>,
    %swap3A_272 = arith.constant 4 : i32
    %swap3A_273 = arith.index_cast %swap3A_272 : i32 to index
    %swap3A_274 = arith.constant 0 : index
    %swap3A_275 = tpu.vector_load %arg10[%swap3A_273, %swap3A_274] {strides = array<i32>} : memref<16x128xf32, #tpu.memory_space<vmem>>, vector<16xf32>,
    tpu.vector_store %arg10[%swap3A_273, %swap3A_274], %broadcast_in_dim3A_12 {strides = array<i32>} : memref<16x128xf32, #tpu.memory_space<vmem>>, vector<16xf32>,
    %swap3A_276 = arith.constant 4 : i32
    %swap3A_277 = arith.index_cast %swap3A_276 : i32 to index
    %swap3A_278 = arith.constant 16 : index
    %swap3A_279 = tpu.vector_load %arg9[%swap3A_277, %swap3A_278] {strides = array<i32>} : memref<16x128xf32, #tpu.memory_space<vmem>>, vector<16xf32>,
    tpu.vector_store %arg9[%swap3A_277, %swap3A_278], %broadcast_in_dim3A_12 {strides = array<i32>} : memref<16x128xf32, #tpu.memory_space<vmem>>, vector<16xf32>,
    %swap3A_280 = arith.constant 4 : i32
    %swap3A_281 = arith.index_cast %swap3A_280 : i32 to index
    %swap3A_282 = arith.constant 16 : index
    %swap3A_283 = tpu.vector_load %arg10[%swap3A_281, %swap3A_282] {strides = array<i32>} : memref<16x128xf32, #tpu.memory_space<vmem>>, vector<16xf32>,
    tpu.vector_store %arg10[%swap3A_281, %swap3A_282], %broadcast_in_dim3A_12 {strides = array<i32>} : memref<16x128xf32, #tpu.memory_space<vmem>>, vector<16xf32>,
    %swap3A_284 = arith.constant 4 : i32
    %swap3A_285 = arith.index_cast %swap3A_284 : i32 to index
    %swap3A_286 = arith.constant 32 : index
    %swap3A_287 = tpu.vector_load %arg9[%swap3A_285, %swap3A_286] {strides = array<i32>} : memref<16x128xf32, #tpu.memory_space<vmem>>, vector<16xf32>,
    tpu.vector_store %arg9[%swap3A_285, %swap3A_286], %broadcast_in_dim3A_12 {strides = array<i32>} : memref<16x128xf32, #tpu.memory_space<vmem>>, vector<16xf32>,
    %swap3A_288 = arith.constant 4 : i32
    %swap3A_289 = arith.index_cast %swap3A_288 : i32 to index
    %swap3A_290 = arith.constant 32 : index
    %swap3A_291 = tpu.vector_load %arg10[%swap3A_289, %swap3A_290] {strides = array<i32>} : memref<16x128xf32, #tpu.memory_space<vmem>>, vector<16xf32>,
    tpu.vector_store %arg10[%swap3A_289, %swap3A_290], %broadcast_in_dim3A_12 {strides = array<i32>} : memref<16x128xf32, #tpu.memory_space<vmem>>, vector<16xf32>,
    %swap3A_292 = arith.constant 4 : i32
    %swap3A_293 = arith.index_cast %swap3A_292 : i32 to index
    %swap3A_294 = arith.constant 48 : index
    %swap3A_295 = tpu.vector_load %arg9[%swap3A_293, %swap3A_294] {strides = array<i32>} : memref<16x128xf32, #tpu.memory_space<vmem>>, vector<16xf32>,
    tpu.vector_store %arg9[%swap3A_293, %swap3A_294], %broadcast_in_dim3A_12 {strides = array<i32>} : memref<16x128xf32, #tpu.memory_space<vmem>>, vector<16xf32>,
    %swap3A_296 = arith.constant 4 : i32
    %swap3A_297 = arith.index_cast %swap3A_296 : i32 to index
    %swap3A_298 = arith.constant 48 : index
    %swap3A_299 = tpu.vector_load %arg10[%swap3A_297, %swap3A_298] {strides = array<i32>} : memref<16x128xf32, #tpu.memory_space<vmem>>, vector<16xf32>,
    tpu.vector_store %arg10[%swap3A_297, %swap3A_298], %broadcast_in_dim3A_12 {strides = array<i32>} : memref<16x128xf32, #tpu.memory_space<vmem>>, vector<16xf32>,
    %swap3A_300 = arith.constant 4 : i32
    %swap3A_301 = arith.index_cast %swap3A_300 : i32 to index
    %swap3A_302 = arith.constant 64 : index
    %swap3A_303 = tpu.vector_load %arg9[%swap3A_301, %swap3A_302] {strides = array<i32>} : memref<16x128xf32, #tpu.memory_space<vmem>>, vector<16xf32>,
    tpu.vector_store %arg9[%swap3A_301, %swap3A_302], %broadcast_in_dim3A_12 {strides = array<i32>} : memref<16x128xf32, #tpu.memory_space<vmem>>, vector<16xf32>,
    %swap3A_304 = arith.constant 4 : i32
    %swap3A_305 = arith.index_cast %swap3A_304 : i32 to index
    %swap3A_306 = arith.constant 64 : index
    %swap3A_307 = tpu.vector_load %arg10[%swap3A_305, %swap3A_306] {strides = array<i32>} : memref<16x128xf32, #tpu.memory_space<vmem>>, vector<16xf32>,
    tpu.vector_store %arg10[%swap3A_305, %swap3A_306], %broadcast_in_dim3A_12 {strides = array<i32>} : memref<16x128xf32, #tpu.memory_space<vmem>>, vector<16xf32>,
    %swap3A_308 = arith.constant 4 : i32
    %swap3A_309 = arith.index_cast %swap3A_308 : i32 to index
    %swap3A_310 = arith.constant 80 : index
    %swap3A_311 = tpu.vector_load %arg9[%swap3A_309, %swap3A_310] {strides = array<i32>} : memref<16x128xf32, #tpu.memory_space<vmem>>, vector<16xf32>,
    tpu.vector_store %arg9[%swap3A_309, %swap3A_310], %broadcast_in_dim3A_12 {strides = array<i32>} : memref<16x128xf32, #tpu.memory_space<vmem>>, vector<16xf32>,
    %swap3A_312 = arith.constant 4 : i32
    %swap3A_313 = arith.index_cast %swap3A_312 : i32 to index
    %swap3A_314 = arith.constant 80 : index
    %swap3A_315 = tpu.vector_load %arg10[%swap3A_313, %swap3A_314] {strides = array<i32>} : memref<16x128xf32, #tpu.memory_space<vmem>>, vector<16xf32>,
    tpu.vector_store %arg10[%swap3A_313, %swap3A_314], %broadcast_in_dim3A_12 {strides = array<i32>} : memref<16x128xf32, #tpu.memory_space<vmem>>, vector<16xf32>,
    %swap3A_316 = arith.constant 4 : i32
    %swap3A_317 = arith.index_cast %swap3A_316 : i32 to index
    %swap3A_318 = arith.constant 96 : index
    %swap3A_319 = tpu.vector_load %arg9[%swap3A_317, %swap3A_318] {strides = array<i32>} : memref<16x128xf32, #tpu.memory_space<vmem>>, vector<16xf32>,
    tpu.vector_store %arg9[%swap3A_317, %swap3A_318], %broadcast_in_dim3A_12 {strides = array<i32>} : memref<16x128xf32, #tpu.memory_space<vmem>>, vector<16xf32>,
    %swap3A_320 = arith.constant 4 : i32
    %swap3A_321 = arith.index_cast %swap3A_320 : i32 to index
    %swap3A_322 = arith.constant 96 : index
    %swap3A_323 = tpu.vector_load %arg10[%swap3A_321, %swap3A_322] {strides = array<i32>} : memref<16x128xf32, #tpu.memory_space<vmem>>, vector<16xf32>,
    tpu.vector_store %arg10[%swap3A_321, %swap3A_322], %broadcast_in_dim3A_12 {strides = array<i32>} : memref<16x128xf32, #tpu.memory_space<vmem>>, vector<16xf32>,
    %swap3A_324 = arith.constant 4 : i32
    %swap3A_325 = arith.index_cast %swap3A_324 : i32 to index
    %swap3A_326 = arith.constant 112 : index
    %swap3A_327 = tpu.vector_load %arg9[%swap3A_325, %swap3A_326] {strides = array<i32>} : memref<16x128xf32, #tpu.memory_space<vmem>>, vector<16xf32>,
    tpu.vector_store %arg9[%swap3A_325, %swap3A_326], %broadcast_in_dim3A_12 {strides = array<i32>} : memref<16x128xf32, #tpu.memory_space<vmem>>, vector<16xf32>,
    %swap3A_328 = arith.constant 4 : i32
    %swap3A_329 = arith.index_cast %swap3A_328 : i32 to index
    %swap3A_330 = arith.constant 112 : index
    %swap3A_331 = tpu.vector_load %arg10[%swap3A_329, %swap3A_330] {strides = array<i32>} : memref<16x128xf32, #tpu.memory_space<vmem>>, vector<16xf32>,
    tpu.vector_store %arg10[%swap3A_329, %swap3A_330], %broadcast_in_dim3A_12 {strides = array<i32>} : memref<16x128xf32, #tpu.memory_space<vmem>>, vector<16xf32>,
    %swap3A_332 = arith.constant 5 : i32
    %swap3A_333 = arith.index_cast %swap3A_332 : i32 to index
    %swap3A_334 = arith.constant 0 : index
    %swap3A_335 = tpu.vector_load %arg9[%swap3A_333, %swap3A_334] {strides = array<i32>} : memref<16x128xf32, #tpu.memory_space<vmem>>, vector<16xf32>,
    tpu.vector_store %arg9[%swap3A_333, %swap3A_334], %broadcast_in_dim3A_12 {strides = array<i32>} : memref<16x128xf32, #tpu.memory_space<vmem>>, vector<16xf32>,
    %swap3A_336 = arith.constant 5 : i32
    %swap3A_337 = arith.index_cast %swap3A_336 : i32 to index
    %swap3A_338 = arith.constant 0 : index
    %swap3A_339 = tpu.vector_load %arg10[%swap3A_337, %swap3A_338] {strides = array<i32>} : memref<16x128xf32, #tpu.memory_space<vmem>>, vector<16xf32>,
    tpu.vector_store %arg10[%swap3A_337, %swap3A_338], %broadcast_in_dim3A_12 {strides = array<i32>} : memref<16x128xf32, #tpu.memory_space<vmem>>, vector<16xf32>,
    %swap3A_340 = arith.constant 5 : i32
    %swap3A_341 = arith.index_cast %swap3A_340 : i32 to index
    %swap3A_342 = arith.constant 16 : index
    %swap3A_343 = tpu.vector_load %arg9[%swap3A_341, %swap3A_342] {strides = array<i32>} : memref<16x128xf32, #tpu.memory_space<vmem>>, vector<16xf32>,
    tpu.vector_store %arg9[%swap3A_341, %swap3A_342], %broadcast_in_dim3A_12 {strides = array<i32>} : memref<16x128xf32, #tpu.memory_space<vmem>>, vector<16xf32>,
    %swap3A_344 = arith.constant 5 : i32
    %swap3A_345 = arith.index_cast %swap3A_344 : i32 to index
    %swap3A_346 = arith.constant 16 : index
    %swap3A_347 = tpu.vector_load %arg10[%swap3A_345, %swap3A_346] {strides = array<i32>} : memref<16x128xf32, #tpu.memory_space<vmem>>, vector<16xf32>,
    tpu.vector_store %arg10[%swap3A_345, %swap3A_346], %broadcast_in_dim3A_12 {strides = array<i32>} : memref<16x128xf32, #tpu.memory_space<vmem>>, vector<16xf32>,
    %swap3A_348 = arith.constant 5 : i32
    %swap3A_349 = arith.index_cast %swap3A_348 : i32 to index
    %swap3A_350 = arith.constant 32 : index
    %swap3A_351 = tpu.vector_load %arg9[%swap3A_349, %swap3A_350] {strides = array<i32>} : memref<16x128xf32, #tpu.memory_space<vmem>>, vector<16xf32>,
    tpu.vector_store %arg9[%swap3A_349, %swap3A_350], %broadcast_in_dim3A_12 {strides = array<i32>} : memref<16x128xf32, #tpu.memory_space<vmem>>, vector<16xf32>,
    %swap3A_352 = arith.constant 5 : i32
    %swap3A_353 = arith.index_cast %swap3A_352 : i32 to index
    %swap3A_354 = arith.constant 32 : index
    %swap3A_355 = tpu.vector_load %arg10[%swap3A_353, %swap3A_354] {strides = array<i32>} : memref<16x128xf32, #tpu.memory_space<vmem>>, vector<16xf32>,
    tpu.vector_store %arg10[%swap3A_353, %swap3A_354], %broadcast_in_dim3A_12 {strides = array<i32>} : memref<16x128xf32, #tpu.memory_space<vmem>>, vector<16xf32>,
    %swap3A_356 = arith.constant 5 : i32
    %swap3A_357 = arith.index_cast %swap3A_356 : i32 to index
    %swap3A_358 = arith.constant 48 : index
    %swap3A_359 = tpu.vector_load %arg9[%swap3A_357, %swap3A_358] {strides = array<i32>} : memref<16x128xf32, #tpu.memory_space<vmem>>, vector<16xf32>,
    tpu.vector_store %arg9[%swap3A_357, %swap3A_358], %broadcast_in_dim3A_12 {strides = array<i32>} : memref<16x128xf32, #tpu.memory_space<vmem>>, vector<16xf32>,
    %swap3A_360 = arith.constant 5 : i32
    %swap3A_361 = arith.index_cast %swap3A_360 : i32 to index
    %swap3A_362 = arith.constant 48 : index
    %swap3A_363 = tpu.vector_load %arg10[%swap3A_361, %swap3A_362] {strides = array<i32>} : memref<16x128xf32, #tpu.memory_space<vmem>>, vector<16xf32>,
    tpu.vector_store %arg10[%swap3A_361, %swap3A_362], %broadcast_in_dim3A_12 {strides = array<i32>} : memref<16x128xf32, #tpu.memory_space<vmem>>, vector<16xf32>,
    %swap3A_364 = arith.constant 5 : i32
    %swap3A_365 = arith.index_cast %swap3A_364 : i32 to index
    %swap3A_366 = arith.constant 64 : index
    %swap3A_367 = tpu.vector_load %arg9[%swap3A_365, %swap3A_366] {strides = array<i32>} : memref<16x128xf32, #tpu.memory_space<vmem>>, vector<16xf32>,
    tpu.vector_store %arg9[%swap3A_365, %swap3A_366], %broadcast_in_dim3A_12 {strides = array<i32>} : memref<16x128xf32, #tpu.memory_space<vmem>>, vector<16xf32>,
    %swap3A_368 = arith.constant 5 : i32
    %swap3A_369 = arith.index_cast %swap3A_368 : i32 to index
    %swap3A_370 = arith.constant 64 : index
    %swap3A_371 = tpu.vector_load %arg10[%swap3A_369, %swap3A_370] {strides = array<i32>} : memref<16x128xf32, #tpu.memory_space<vmem>>, vector<16xf32>,
    tpu.vector_store %arg10[%swap3A_369, %swap3A_370], %broadcast_in_dim3A_12 {strides = array<i32>} : memref<16x128xf32, #tpu.memory_space<vmem>>, vector<16xf32>,
    %swap3A_372 = arith.constant 5 : i32
    %swap3A_373 = arith.index_cast %swap3A_372 : i32 to index
    %swap3A_374 = arith.constant 80 : index
    %swap3A_375 = tpu.vector_load %arg9[%swap3A_373, %swap3A_374] {strides = array<i32>} : memref<16x128xf32, #tpu.memory_space<vmem>>, vector<16xf32>,
    tpu.vector_store %arg9[%swap3A_373, %swap3A_374], %broadcast_in_dim3A_12 {strides = array<i32>} : memref<16x128xf32, #tpu.memory_space<vmem>>, vector<16xf32>,
    %swap3A_376 = arith.constant 5 : i32
    %swap3A_377 = arith.index_cast %swap3A_376 : i32 to index
    %swap3A_378 = arith.constant 80 : index
    %swap3A_379 = tpu.vector_load %arg10[%swap3A_377, %swap3A_378] {strides = array<i32>} : memref<16x128xf32, #tpu.memory_space<vmem>>, vector<16xf32>,
    tpu.vector_store %arg10[%swap3A_377, %swap3A_378], %broadcast_in_dim3A_12 {strides = array<i32>} : memref<16x128xf32, #tpu.memory_space<vmem>>, vector<16xf32>,
    %swap3A_380 = arith.constant 5 : i32
    %swap3A_381 = arith.index_cast %swap3A_380 : i32 to index
    %swap3A_382 = arith.constant 96 : index
    %swap3A_383 = tpu.vector_load %arg9[%swap3A_381, %swap3A_382] {strides = array<i32>} : memref<16x128xf32, #tpu.memory_space<vmem>>, vector<16xf32>,
    tpu.vector_store %arg9[%swap3A_381, %swap3A_382], %broadcast_in_dim3A_12 {strides = array<i32>} : memref<16x128xf32, #tpu.memory_space<vmem>>, vector<16xf32>,
    %swap3A_384 = arith.constant 5 : i32
    %swap3A_385 = arith.index_cast %swap3A_384 : i32 to index
    %swap3A_386 = arith.constant 96 : index
    %swap3A_387 = tpu.vector_load %arg10[%swap3A_385, %swap3A_386] {strides = array<i32>} : memref<16x128xf32, #tpu.memory_space<vmem>>, vector<16xf32>,
    tpu.vector_store %arg10[%swap3A_385, %swap3A_386], %broadcast_in_dim3A_12 {strides = array<i32>} : memref<16x128xf32, #tpu.memory_space<vmem>>, vector<16xf32>,
    %swap3A_388 = arith.constant 5 : i32
    %swap3A_389 = arith.index_cast %swap3A_388 : i32 to index
    %swap3A_390 = arith.constant 112 : index
    %swap3A_391 = tpu.vector_load %arg9[%swap3A_389, %swap3A_390] {strides = array<i32>} : memref<16x128xf32, #tpu.memory_space<vmem>>, vector<16xf32>,
    tpu.vector_store %arg9[%swap3A_389, %swap3A_390], %broadcast_in_dim3A_12 {strides = array<i32>} : memref<16x128xf32, #tpu.memory_space<vmem>>, vector<16xf32>,
    %swap3A_392 = arith.constant 5 : i32
    %swap3A_393 = arith.index_cast %swap3A_392 : i32 to index
    %swap3A_394 = arith.constant 112 : index
    %swap3A_395 = tpu.vector_load %arg10[%swap3A_393, %swap3A_394] {strides = array<i32>} : memref<16x128xf32, #tpu.memory_space<vmem>>, vector<16xf32>,
    tpu.vector_store %arg10[%swap3A_393, %swap3A_394], %broadcast_in_dim3A_12 {strides = array<i32>} : memref<16x128xf32, #tpu.memory_space<vmem>>, vector<16xf32>,
    %swap3A_396 = arith.constant 6 : i32
    %swap3A_397 = arith.index_cast %swap3A_396 : i32 to index
    %swap3A_398 = arith.constant 0 : index
    %swap3A_399 = tpu.vector_load %arg9[%swap3A_397, %swap3A_398] {strides = array<i32>} : memref<16x128xf32, #tpu.memory_space<vmem>>, vector<16xf32>,
    tpu.vector_store %arg9[%swap3A_397, %swap3A_398], %broadcast_in_dim3A_12 {strides = array<i32>} : memref<16x128xf32, #tpu.memory_space<vmem>>, vector<16xf32>,
    %swap3A_400 = arith.constant 6 : i32
    %swap3A_401 = arith.index_cast %swap3A_400 : i32 to index
    %swap3A_402 = arith.constant 0 : index
    %swap3A_403 = tpu.vector_load %arg10[%swap3A_401, %swap3A_402] {strides = array<i32>} : memref<16x128xf32, #tpu.memory_space<vmem>>, vector<16xf32>,
    tpu.vector_store %arg10[%swap3A_401, %swap3A_402], %broadcast_in_dim3A_12 {strides = array<i32>} : memref<16x128xf32, #tpu.memory_space<vmem>>, vector<16xf32>,
    %swap3A_404 = arith.constant 6 : i32
    %swap3A_405 = arith.index_cast %swap3A_404 : i32 to index
    %swap3A_406 = arith.constant 16 : index
    %swap3A_407 = tpu.vector_load %arg9[%swap3A_405, %swap3A_406] {strides = array<i32>} : memref<16x128xf32, #tpu.memory_space<vmem>>, vector<16xf32>,
    tpu.vector_store %arg9[%swap3A_405, %swap3A_406], %broadcast_in_dim3A_12 {strides = array<i32>} : memref<16x128xf32, #tpu.memory_space<vmem>>, vector<16xf32>,
    %swap3A_408 = arith.constant 6 : i32
    %swap3A_409 = arith.index_cast %swap3A_408 : i32 to index
    %swap3A_410 = arith.constant 16 : index
    %swap3A_411 = tpu.vector_load %arg10[%swap3A_409, %swap3A_410] {strides = array<i32>} : memref<16x128xf32, #tpu.memory_space<vmem>>, vector<16xf32>,
    tpu.vector_store %arg10[%swap3A_409, %swap3A_410], %broadcast_in_dim3A_12 {strides = array<i32>} : memref<16x128xf32, #tpu.memory_space<vmem>>, vector<16xf32>,
    %swap3A_412 = arith.constant 6 : i32
    %swap3A_413 = arith.index_cast %swap3A_412 : i32 to index
    %swap3A_414 = arith.constant 32 : index
    %swap3A_415 = tpu.vector_load %arg9[%swap3A_413, %swap3A_414] {strides = array<i32>} : memref<16x128xf32, #tpu.memory_space<vmem>>, vector<16xf32>,
    tpu.vector_store %arg9[%swap3A_413, %swap3A_414], %broadcast_in_dim3A_12 {strides = array<i32>} : memref<16x128xf32, #tpu.memory_space<vmem>>, vector<16xf32>,
    %swap3A_416 = arith.constant 6 : i32
    %swap3A_417 = arith.index_cast %swap3A_416 : i32 to index
    %swap3A_418 = arith.constant 32 : index
    %swap3A_419 = tpu.vector_load %arg10[%swap3A_417, %swap3A_418] {strides = array<i32>} : memref<16x128xf32, #tpu.memory_space<vmem>>, vector<16xf32>,
    tpu.vector_store %arg10[%swap3A_417, %swap3A_418], %broadcast_in_dim3A_12 {strides = array<i32>} : memref<16x128xf32, #tpu.memory_space<vmem>>, vector<16xf32>,
    %swap3A_420 = arith.constant 6 : i32
    %swap3A_421 = arith.index_cast %swap3A_420 : i32 to index
    %swap3A_422 = arith.constant 48 : index
    %swap3A_423 = tpu.vector_load %arg9[%swap3A_421, %swap3A_422] {strides = array<i32>} : memref<16x128xf32, #tpu.memory_space<vmem>>, vector<16xf32>,
    tpu.vector_store %arg9[%swap3A_421, %swap3A_422], %broadcast_in_dim3A_12 {strides = array<i32>} : memref<16x128xf32, #tpu.memory_space<vmem>>, vector<16xf32>,
    %swap3A_424 = arith.constant 6 : i32
    %swap3A_425 = arith.index_cast %swap3A_424 : i32 to index
    %swap3A_426 = arith.constant 48 : index
    %swap3A_427 = tpu.vector_load %arg10[%swap3A_425, %swap3A_426] {strides = array<i32>} : memref<16x128xf32, #tpu.memory_space<vmem>>, vector<16xf32>,
    tpu.vector_store %arg10[%swap3A_425, %swap3A_426], %broadcast_in_dim3A_12 {strides = array<i32>} : memref<16x128xf32, #tpu.memory_space<vmem>>, vector<16xf32>,
    %swap3A_428 = arith.constant 6 : i32
    %swap3A_429 = arith.index_cast %swap3A_428 : i32 to index
    %swap3A_430 = arith.constant 64 : index
    %swap3A_431 = tpu.vector_load %arg9[%swap3A_429, %swap3A_430] {strides = array<i32>} : memref<16x128xf32, #tpu.memory_space<vmem>>, vector<16xf32>,
    tpu.vector_store %arg9[%swap3A_429, %swap3A_430], %broadcast_in_dim3A_12 {strides = array<i32>} : memref<16x128xf32, #tpu.memory_space<vmem>>, vector<16xf32>,
    %swap3A_432 = arith.constant 6 : i32
    %swap3A_433 = arith.index_cast %swap3A_432 : i32 to index
    %swap3A_434 = arith.constant 64 : index
    %swap3A_435 = tpu.vector_load %arg10[%swap3A_433, %swap3A_434] {strides = array<i32>} : memref<16x128xf32, #tpu.memory_space<vmem>>, vector<16xf32>,
    tpu.vector_store %arg10[%swap3A_433, %swap3A_434], %broadcast_in_dim3A_12 {strides = array<i32>} : memref<16x128xf32, #tpu.memory_space<vmem>>, vector<16xf32>,
    %swap3A_436 = arith.constant 6 : i32
    %swap3A_437 = arith.index_cast %swap3A_436 : i32 to index
    %swap3A_438 = arith.constant 80 : index
    %swap3A_439 = tpu.vector_load %arg9[%swap3A_437, %swap3A_438] {strides = array<i32>} : memref<16x128xf32, #tpu.memory_space<vmem>>, vector<16xf32>,
    tpu.vector_store %arg9[%swap3A_437, %swap3A_438], %broadcast_in_dim3A_12 {strides = array<i32>} : memref<16x128xf32, #tpu.memory_space<vmem>>, vector<16xf32>,
    %swap3A_440 = arith.constant 6 : i32
    %swap3A_441 = arith.index_cast %swap3A_440 : i32 to index
    %swap3A_442 = arith.constant 80 : index
    %swap3A_443 = tpu.vector_load %arg10[%swap3A_441, %swap3A_442] {strides = array<i32>} : memref<16x128xf32, #tpu.memory_space<vmem>>, vector<16xf32>,
    tpu.vector_store %arg10[%swap3A_441, %swap3A_442], %broadcast_in_dim3A_12 {strides = array<i32>} : memref<16x128xf32, #tpu.memory_space<vmem>>, vector<16xf32>,
    %swap3A_444 = arith.constant 6 : i32
    %swap3A_445 = arith.index_cast %swap3A_444 : i32 to index
    %swap3A_446 = arith.constant 96 : index
    %swap3A_447 = tpu.vector_load %arg9[%swap3A_445, %swap3A_446] {strides = array<i32>} : memref<16x128xf32, #tpu.memory_space<vmem>>, vector<16xf32>,
    tpu.vector_store %arg9[%swap3A_445, %swap3A_446], %broadcast_in_dim3A_12 {strides = array<i32>} : memref<16x128xf32, #tpu.memory_space<vmem>>, vector<16xf32>,
    %swap3A_448 = arith.constant 6 : i32
    %swap3A_449 = arith.index_cast %swap3A_448 : i32 to index
    %swap3A_450 = arith.constant 96 : index
    %swap3A_451 = tpu.vector_load %arg10[%swap3A_449, %swap3A_450] {strides = array<i32>} : memref<16x128xf32, #tpu.memory_space<vmem>>, vector<16xf32>,
    tpu.vector_store %arg10[%swap3A_449, %swap3A_450], %broadcast_in_dim3A_12 {strides = array<i32>} : memref<16x128xf32, #tpu.memory_space<vmem>>, vector<16xf32>,
    %swap3A_452 = arith.constant 6 : i32
    %swap3A_453 = arith.index_cast %swap3A_452 : i32 to index
    %swap3A_454 = arith.constant 112 : index
    %swap3A_455 = tpu.vector_load %arg9[%swap3A_453, %swap3A_454] {strides = array<i32>} : memref<16x128xf32, #tpu.memory_space<vmem>>, vector<16xf32>,
    tpu.vector_store %arg9[%swap3A_453, %swap3A_454], %broadcast_in_dim3A_12 {strides = array<i32>} : memref<16x128xf32, #tpu.memory_space<vmem>>, vector<16xf32>,
    %swap3A_456 = arith.constant 6 : i32
    %swap3A_457 = arith.index_cast %swap3A_456 : i32 to index
    %swap3A_458 = arith.constant 112 : index
    %swap3A_459 = tpu.vector_load %arg10[%swap3A_457, %swap3A_458] {strides = array<i32>} : memref<16x128xf32, #tpu.memory_space<vmem>>, vector<16xf32>,
    tpu.vector_store %arg10[%swap3A_457, %swap3A_458], %broadcast_in_dim3A_12 {strides = array<i32>} : memref<16x128xf32, #tpu.memory_space<vmem>>, vector<16xf32>,
    %swap3A_460 = arith.constant 7 : i32
    %swap3A_461 = arith.index_cast %swap3A_460 : i32 to index
    %swap3A_462 = arith.constant 0 : index
    %swap3A_463 = tpu.vector_load %arg9[%swap3A_461, %swap3A_462] {strides = array<i32>} : memref<16x128xf32, #tpu.memory_space<vmem>>, vector<16xf32>,
    tpu.vector_store %arg9[%swap3A_461, %swap3A_462], %broadcast_in_dim3A_12 {strides = array<i32>} : memref<16x128xf32, #tpu.memory_space<vmem>>, vector<16xf32>,
    %swap3A_464 = arith.constant 7 : i32
    %swap3A_465 = arith.index_cast %swap3A_464 : i32 to index
    %swap3A_466 = arith.constant 0 : index
    %swap3A_467 = tpu.vector_load %arg10[%swap3A_465, %swap3A_466] {strides = array<i32>} : memref<16x128xf32, #tpu.memory_space<vmem>>, vector<16xf32>,
    tpu.vector_store %arg10[%swap3A_465, %swap3A_466], %broadcast_in_dim3A_12 {strides = array<i32>} : memref<16x128xf32, #tpu.memory_space<vmem>>, vector<16xf32>,
    %swap3A_468 = arith.constant 7 : i32
    %swap3A_469 = arith.index_cast %swap3A_468 : i32 to index
    %swap3A_470 = arith.constant 16 : index
    %swap3A_471 = tpu.vector_load %arg9[%swap3A_469, %swap3A_470] {strides = array<i32>} : memref<16x128xf32, #tpu.memory_space<vmem>>, vector<16xf32>,
    tpu.vector_store %arg9[%swap3A_469, %swap3A_470], %broadcast_in_dim3A_12 {strides = array<i32>} : memref<16x128xf32, #tpu.memory_space<vmem>>, vector<16xf32>,
    %swap3A_472 = arith.constant 7 : i32
    %swap3A_473 = arith.index_cast %swap3A_472 : i32 to index
    %swap3A_474 = arith.constant 16 : index
    %swap3A_475 = tpu.vector_load %arg10[%swap3A_473, %swap3A_474] {strides = array<i32>} : memref<16x128xf32, #tpu.memory_space<vmem>>, vector<16xf32>,
    tpu.vector_store %arg10[%swap3A_473, %swap3A_474], %broadcast_in_dim3A_12 {strides = array<i32>} : memref<16x128xf32, #tpu.memory_space<vmem>>, vector<16xf32>,
    %swap3A_476 = arith.constant 7 : i32
    %swap3A_477 = arith.index_cast %swap3A_476 : i32 to index
    %swap3A_478 = arith.constant 32 : index
    %swap3A_479 = tpu.vector_load %arg9[%swap3A_477, %swap3A_478] {strides = array<i32>} : memref<16x128xf32, #tpu.memory_space<vmem>>, vector<16xf32>,
    tpu.vector_store %arg9[%swap3A_477, %swap3A_478], %broadcast_in_dim3A_12 {strides = array<i32>} : memref<16x128xf32, #tpu.memory_space<vmem>>, vector<16xf32>,
    %swap3A_480 = arith.constant 7 : i32
    %swap3A_481 = arith.index_cast %swap3A_480 : i32 to index
    %swap3A_482 = arith.constant 32 : index
    %swap3A_483 = tpu.vector_load %arg10[%swap3A_481, %swap3A_482] {strides = array<i32>} : memref<16x128xf32, #tpu.memory_space<vmem>>, vector<16xf32>,
    tpu.vector_store %arg10[%swap3A_481, %swap3A_482], %broadcast_in_dim3A_12 {strides = array<i32>} : memref<16x128xf32, #tpu.memory_space<vmem>>, vector<16xf32>,
    %swap3A_484 = arith.constant 7 : i32
    %swap3A_485 = arith.index_cast %swap3A_484 : i32 to index
    %swap3A_486 = arith.constant 48 : index
    %swap3A_487 = tpu.vector_load %arg9[%swap3A_485, %swap3A_486] {strides = array<i32>} : memref<16x128xf32, #tpu.memory_space<vmem>>, vector<16xf32>,
    tpu.vector_store %arg9[%swap3A_485, %swap3A_486], %broadcast_in_dim3A_12 {strides = array<i32>} : memref<16x128xf32, #tpu.memory_space<vmem>>, vector<16xf32>,
    %swap3A_488 = arith.constant 7 : i32
    %swap3A_489 = arith.index_cast %swap3A_488 : i32 to index
    %swap3A_490 = arith.constant 48 : index
    %swap3A_491 = tpu.vector_load %arg10[%swap3A_489, %swap3A_490] {strides = array<i32>} : memref<16x128xf32, #tpu.memory_space<vmem>>, vector<16xf32>,
    tpu.vector_store %arg10[%swap3A_489, %swap3A_490], %broadcast_in_dim3A_12 {strides = array<i32>} : memref<16x128xf32, #tpu.memory_space<vmem>>, vector<16xf32>,
    %swap3A_492 = arith.constant 7 : i32
    %swap3A_493 = arith.index_cast %swap3A_492 : i32 to index
    %swap3A_494 = arith.constant 64 : index
    %swap3A_495 = tpu.vector_load %arg9[%swap3A_493, %swap3A_494] {strides = array<i32>} : memref<16x128xf32, #tpu.memory_space<vmem>>, vector<16xf32>,
    tpu.vector_store %arg9[%swap3A_493, %swap3A_494], %broadcast_in_dim3A_12 {strides = array<i32>} : memref<16x128xf32, #tpu.memory_space<vmem>>, vector<16xf32>,
    %swap3A_496 = arith.constant 7 : i32
    %swap3A_497 = arith.index_cast %swap3A_496 : i32 to index
    %swap3A_498 = arith.constant 64 : index
    %swap3A_499 = tpu.vector_load %arg10[%swap3A_497, %swap3A_498] {strides = array<i32>} : memref<16x128xf32, #tpu.memory_space<vmem>>, vector<16xf32>,
    tpu.vector_store %arg10[%swap3A_497, %swap3A_498], %broadcast_in_dim3A_12 {strides = array<i32>} : memref<16x128xf32, #tpu.memory_space<vmem>>, vector<16xf32>,
    %swap3A_500 = arith.constant 7 : i32
    %swap3A_501 = arith.index_cast %swap3A_500 : i32 to index
    %swap3A_502 = arith.constant 80 : index
    %swap3A_503 = tpu.vector_load %arg9[%swap3A_501, %swap3A_502] {strides = array<i32>} : memref<16x128xf32, #tpu.memory_space<vmem>>, vector<16xf32>,
    tpu.vector_store %arg9[%swap3A_501, %swap3A_502], %broadcast_in_dim3A_12 {strides = array<i32>} : memref<16x128xf32, #tpu.memory_space<vmem>>, vector<16xf32>,
    %swap3A_504 = arith.constant 7 : i32
    %swap3A_505 = arith.index_cast %swap3A_504 : i32 to index
    %swap3A_506 = arith.constant 80 : index
    %swap3A_507 = tpu.vector_load %arg10[%swap3A_505, %swap3A_506] {strides = array<i32>} : memref<16x128xf32, #tpu.memory_space<vmem>>, vector<16xf32>,
    tpu.vector_store %arg10[%swap3A_505, %swap3A_506], %broadcast_in_dim3A_12 {strides = array<i32>} : memref<16x128xf32, #tpu.memory_space<vmem>>, vector<16xf32>,
    %swap3A_508 = arith.constant 7 : i32
    %swap3A_509 = arith.index_cast %swap3A_508 : i32 to index
    %swap3A_510 = arith.constant 96 : index
    %swap3A_511 = tpu.vector_load %arg9[%swap3A_509, %swap3A_510] {strides = array<i32>} : memref<16x128xf32, #tpu.memory_space<vmem>>, vector<16xf32>,
    tpu.vector_store %arg9[%swap3A_509, %swap3A_510], %broadcast_in_dim3A_12 {strides = array<i32>} : memref<16x128xf32, #tpu.memory_space<vmem>>, vector<16xf32>,
    %swap3A_512 = arith.constant 7 : i32
    %swap3A_513 = arith.index_cast %swap3A_512 : i32 to index
    %swap3A_514 = arith.constant 96 : index
    %swap3A_515 = tpu.vector_load %arg10[%swap3A_513, %swap3A_514] {strides = array<i32>} : memref<16x128xf32, #tpu.memory_space<vmem>>, vector<16xf32>,
    tpu.vector_store %arg10[%swap3A_513, %swap3A_514], %broadcast_in_dim3A_12 {strides = array<i32>} : memref<16x128xf32, #tpu.memory_space<vmem>>, vector<16xf32>,
    %swap3A_516 = arith.constant 7 : i32
    %swap3A_517 = arith.index_cast %swap3A_516 : i32 to index
    %swap3A_518 = arith.constant 112 : index
    %swap3A_519 = tpu.vector_load %arg9[%swap3A_517, %swap3A_518] {strides = array<i32>} : memref<16x128xf32, #tpu.memory_space<vmem>>, vector<16xf32>,
    tpu.vector_store %arg9[%swap3A_517, %swap3A_518], %broadcast_in_dim3A_12 {strides = array<i32>} : memref<16x128xf32, #tpu.memory_space<vmem>>, vector<16xf32>,
    %swap3A_520 = arith.constant 7 : i32
    %swap3A_521 = arith.index_cast %swap3A_520 : i32 to index
    %swap3A_522 = arith.constant 112 : index
    %swap3A_523 = tpu.vector_load %arg10[%swap3A_521, %swap3A_522] {strides = array<i32>} : memref<16x128xf32, #tpu.memory_space<vmem>>, vector<16xf32>,
    tpu.vector_store %arg10[%swap3A_521, %swap3A_522], %broadcast_in_dim3A_12 {strides = array<i32>} : memref<16x128xf32, #tpu.memory_space<vmem>>, vector<16xf32>,
    %swap3A_524 = arith.constant 8 : i32
    %swap3A_525 = arith.index_cast %swap3A_524 : i32 to index
    %swap3A_526 = arith.constant 0 : index
    %swap3A_527 = tpu.vector_load %arg9[%swap3A_525, %swap3A_526] {strides = array<i32>} : memref<16x128xf32, #tpu.memory_space<vmem>>, vector<16xf32>,
    tpu.vector_store %arg9[%swap3A_525, %swap3A_526], %broadcast_in_dim3A_12 {strides = array<i32>} : memref<16x128xf32, #tpu.memory_space<vmem>>, vector<16xf32>,
    %swap3A_528 = arith.constant 8 : i32
    %swap3A_529 = arith.index_cast %swap3A_528 : i32 to index
    %swap3A_530 = arith.constant 0 : index
    %swap3A_531 = tpu.vector_load %arg10[%swap3A_529, %swap3A_530] {strides = array<i32>} : memref<16x128xf32, #tpu.memory_space<vmem>>, vector<16xf32>,
    tpu.vector_store %arg10[%swap3A_529, %swap3A_530], %broadcast_in_dim3A_12 {strides = array<i32>} : memref<16x128xf32, #tpu.memory_space<vmem>>, vector<16xf32>,
    %swap3A_532 = arith.constant 8 : i32
    %swap3A_533 = arith.index_cast %swap3A_532 : i32 to index
    %swap3A_534 = arith.constant 16 : index
    %swap3A_535 = tpu.vector_load %arg9[%swap3A_533, %swap3A_534] {strides = array<i32>} : memref<16x128xf32, #tpu.memory_space<vmem>>, vector<16xf32>,
    tpu.vector_store %arg9[%swap3A_533, %swap3A_534], %broadcast_in_dim3A_12 {strides = array<i32>} : memref<16x128xf32, #tpu.memory_space<vmem>>, vector<16xf32>,
    %swap3A_536 = arith.constant 8 : i32
    %swap3A_537 = arith.index_cast %swap3A_536 : i32 to index
    %swap3A_538 = arith.constant 16 : index
    %swap3A_539 = tpu.vector_load %arg10[%swap3A_537, %swap3A_538] {strides = array<i32>} : memref<16x128xf32, #tpu.memory_space<vmem>>, vector<16xf32>,
    tpu.vector_store %arg10[%swap3A_537, %swap3A_538], %broadcast_in_dim3A_12 {strides = array<i32>} : memref<16x128xf32, #tpu.memory_space<vmem>>, vector<16xf32>,
    %swap3A_540 = arith.constant 8 : i32
    %swap3A_541 = arith.index_cast %swap3A_540 : i32 to index
    %swap3A_542 = arith.constant 32 : index
    %swap3A_543 = tpu.vector_load %arg9[%swap3A_541, %swap3A_542] {strides = array<i32>} : memref<16x128xf32, #tpu.memory_space<vmem>>, vector<16xf32>,
    tpu.vector_store %arg9[%swap3A_541, %swap3A_542], %broadcast_in_dim3A_12 {strides = array<i32>} : memref<16x128xf32, #tpu.memory_space<vmem>>, vector<16xf32>,
    %swap3A_544 = arith.constant 8 : i32
    %swap3A_545 = arith.index_cast %swap3A_544 : i32 to index
    %swap3A_546 = arith.constant 32 : index
    %swap3A_547 = tpu.vector_load %arg10[%swap3A_545, %swap3A_546] {strides = array<i32>} : memref<16x128xf32, #tpu.memory_space<vmem>>, vector<16xf32>,
    tpu.vector_store %arg10[%swap3A_545, %swap3A_546], %broadcast_in_dim3A_12 {strides = array<i32>} : memref<16x128xf32, #tpu.memory_space<vmem>>, vector<16xf32>,
    %swap3A_548 = arith.constant 8 : i32
    %swap3A_549 = arith.index_cast %swap3A_548 : i32 to index
    %swap3A_550 = arith.constant 48 : index
    %swap3A_551 = tpu.vector_load %arg9[%swap3A_549, %swap3A_550] {strides = array<i32>} : memref<16x128xf32, #tpu.memory_space<vmem>>, vector<16xf32>,
    tpu.vector_store %arg9[%swap3A_549, %swap3A_550], %broadcast_in_dim3A_12 {strides = array<i32>} : memref<16x128xf32, #tpu.memory_space<vmem>>, vector<16xf32>,
    %swap3A_552 = arith.constant 8 : i32
    %swap3A_553 = arith.index_cast %swap3A_552 : i32 to index
    %swap3A_554 = arith.constant 48 : index
    %swap3A_555 = tpu.vector_load %arg10[%swap3A_553, %swap3A_554] {strides = array<i32>} : memref<16x128xf32, #tpu.memory_space<vmem>>, vector<16xf32>,
    tpu.vector_store %arg10[%swap3A_553, %swap3A_554], %broadcast_in_dim3A_12 {strides = array<i32>} : memref<16x128xf32, #tpu.memory_space<vmem>>, vector<16xf32>,
    %swap3A_556 = arith.constant 8 : i32
    %swap3A_557 = arith.index_cast %swap3A_556 : i32 to index
    %swap3A_558 = arith.constant 64 : index
    %swap3A_559 = tpu.vector_load %arg9[%swap3A_557, %swap3A_558] {strides = array<i32>} : memref<16x128xf32, #tpu.memory_space<vmem>>, vector<16xf32>,
    tpu.vector_store %arg9[%swap3A_557, %swap3A_558], %broadcast_in_dim3A_12 {strides = array<i32>} : memref<16x128xf32, #tpu.memory_space<vmem>>, vector<16xf32>,
    %swap3A_560 = arith.constant 8 : i32
    %swap3A_561 = arith.index_cast %swap3A_560 : i32 to index
    %swap3A_562 = arith.constant 64 : index
    %swap3A_563 = tpu.vector_load %arg10[%swap3A_561, %swap3A_562] {strides = array<i32>} : memref<16x128xf32, #tpu.memory_space<vmem>>, vector<16xf32>,
    tpu.vector_store %arg10[%swap3A_561, %swap3A_562], %broadcast_in_dim3A_12 {strides = array<i32>} : memref<16x128xf32, #tpu.memory_space<vmem>>, vector<16xf32>,
    %swap3A_564 = arith.constant 8 : i32
    %swap3A_565 = arith.index_cast %swap3A_564 : i32 to index
    %swap3A_566 = arith.constant 80 : index
    %swap3A_567 = tpu.vector_load %arg9[%swap3A_565, %swap3A_566] {strides = array<i32>} : memref<16x128xf32, #tpu.memory_space<vmem>>, vector<16xf32>,
    tpu.vector_store %arg9[%swap3A_565, %swap3A_566], %broadcast_in_dim3A_12 {strides = array<i32>} : memref<16x128xf32, #tpu.memory_space<vmem>>, vector<16xf32>,
    %swap3A_568 = arith.constant 8 : i32
    %swap3A_569 = arith.index_cast %swap3A_568 : i32 to index
    %swap3A_570 = arith.constant 80 : index
    %swap3A_571 = tpu.vector_load %arg10[%swap3A_569, %swap3A_570] {strides = array<i32>} : memref<16x128xf32, #tpu.memory_space<vmem>>, vector<16xf32>,
    tpu.vector_store %arg10[%swap3A_569, %swap3A_570], %broadcast_in_dim3A_12 {strides = array<i32>} : memref<16x128xf32, #tpu.memory_space<vmem>>, vector<16xf32>,
    %swap3A_572 = arith.constant 8 : i32
    %swap3A_573 = arith.index_cast %swap3A_572 : i32 to index
    %swap3A_574 = arith.constant 96 : index
    %swap3A_575 = tpu.vector_load %arg9[%swap3A_573, %swap3A_574] {strides = array<i32>} : memref<16x128xf32, #tpu.memory_space<vmem>>, vector<16xf32>,
    tpu.vector_store %arg9[%swap3A_573, %swap3A_574], %broadcast_in_dim3A_12 {strides = array<i32>} : memref<16x128xf32, #tpu.memory_space<vmem>>, vector<16xf32>,
    %swap3A_576 = arith.constant 8 : i32
    %swap3A_577 = arith.index_cast %swap3A_576 : i32 to index
    %swap3A_578 = arith.constant 96 : index
    %swap3A_579 = tpu.vector_load %arg10[%swap3A_577, %swap3A_578] {strides = array<i32>} : memref<16x128xf32, #tpu.memory_space<vmem>>, vector<16xf32>,
    tpu.vector_store %arg10[%swap3A_577, %swap3A_578], %broadcast_in_dim3A_12 {strides = array<i32>} : memref<16x128xf32, #tpu.memory_space<vmem>>, vector<16xf32>,
    %swap3A_580 = arith.constant 8 : i32
    %swap3A_581 = arith.index_cast %swap3A_580 : i32 to index
    %swap3A_582 = arith.constant 112 : index
    %swap3A_583 = tpu.vector_load %arg9[%swap3A_581, %swap3A_582] {strides = array<i32>} : memref<16x128xf32, #tpu.memory_space<vmem>>, vector<16xf32>,
    tpu.vector_store %arg9[%swap3A_581, %swap3A_582], %broadcast_in_dim3A_12 {strides = array<i32>} : memref<16x128xf32, #tpu.memory_space<vmem>>, vector<16xf32>,
    %swap3A_584 = arith.constant 8 : i32
    %swap3A_585 = arith.index_cast %swap3A_584 : i32 to index
    %swap3A_586 = arith.constant 112 : index
    %swap3A_587 = tpu.vector_load %arg10[%swap3A_585, %swap3A_586] {strides = array<i32>} : memref<16x128xf32, #tpu.memory_space<vmem>>, vector<16xf32>,
    tpu.vector_store %arg10[%swap3A_585, %swap3A_586], %broadcast_in_dim3A_12 {strides = array<i32>} : memref<16x128xf32, #tpu.memory_space<vmem>>, vector<16xf32>,
    %swap3A_588 = arith.constant 9 : i32
    %swap3A_589 = arith.index_cast %swap3A_588 : i32 to index
    %swap3A_590 = arith.constant 0 : index
    %swap3A_591 = tpu.vector_load %arg9[%swap3A_589, %swap3A_590] {strides = array<i32>} : memref<16x128xf32, #tpu.memory_space<vmem>>, vector<16xf32>,
    tpu.vector_store %arg9[%swap3A_589, %swap3A_590], %broadcast_in_dim3A_12 {strides = array<i32>} : memref<16x128xf32, #tpu.memory_space<vmem>>, vector<16xf32>,
    %swap3A_592 = arith.constant 9 : i32
    %swap3A_593 = arith.index_cast %swap3A_592 : i32 to index
    %swap3A_594 = arith.constant 0 : index
    %swap3A_595 = tpu.vector_load %arg10[%swap3A_593, %swap3A_594] {strides = array<i32>} : memref<16x128xf32, #tpu.memory_space<vmem>>, vector<16xf32>,
    tpu.vector_store %arg10[%swap3A_593, %swap3A_594], %broadcast_in_dim3A_12 {strides = array<i32>} : memref<16x128xf32, #tpu.memory_space<vmem>>, vector<16xf32>,
    %swap3A_596 = arith.constant 9 : i32
    %swap3A_597 = arith.index_cast %swap3A_596 : i32 to index
    %swap3A_598 = arith.constant 16 : index
    %swap3A_599 = tpu.vector_load %arg9[%swap3A_597, %swap3A_598] {strides = array<i32>} : memref<16x128xf32, #tpu.memory_space<vmem>>, vector<16xf32>,
    tpu.vector_store %arg9[%swap3A_597, %swap3A_598], %broadcast_in_dim3A_12 {strides = array<i32>} : memref<16x128xf32, #tpu.memory_space<vmem>>, vector<16xf32>,
    %swap3A_600 = arith.constant 9 : i32
    %swap3A_601 = arith.index_cast %swap3A_600 : i32 to index
    %swap3A_602 = arith.constant 16 : index
    %swap3A_603 = tpu.vector_load %arg10[%swap3A_601, %swap3A_602] {strides = array<i32>} : memref<16x128xf32, #tpu.memory_space<vmem>>, vector<16xf32>,
    tpu.vector_store %arg10[%swap3A_601, %swap3A_602], %broadcast_in_dim3A_12 {strides = array<i32>} : memref<16x128xf32, #tpu.memory_space<vmem>>, vector<16xf32>,
    %swap3A_604 = arith.constant 9 : i32
    %swap3A_605 = arith.index_cast %swap3A_604 : i32 to index
    %swap3A_606 = arith.constant 32 : index
    %swap3A_607 = tpu.vector_load %arg9[%swap3A_605, %swap3A_606] {strides = array<i32>} : memref<16x128xf32, #tpu.memory_space<vmem>>, vector<16xf32>,
    tpu.vector_store %arg9[%swap3A_605, %swap3A_606], %broadcast_in_dim3A_12 {strides = array<i32>} : memref<16x128xf32, #tpu.memory_space<vmem>>, vector<16xf32>,
    %swap3A_608 = arith.constant 9 : i32
    %swap3A_609 = arith.index_cast %swap3A_608 : i32 to index
    %swap3A_610 = arith.constant 32 : index
    %swap3A_611 = tpu.vector_load %arg10[%swap3A_609, %swap3A_610] {strides = array<i32>} : memref<16x128xf32, #tpu.memory_space<vmem>>, vector<16xf32>,
    tpu.vector_store %arg10[%swap3A_609, %swap3A_610], %broadcast_in_dim3A_12 {strides = array<i32>} : memref<16x128xf32, #tpu.memory_space<vmem>>, vector<16xf32>,
    %swap3A_612 = arith.constant 9 : i32
    %swap3A_613 = arith.index_cast %swap3A_612 : i32 to index
    %swap3A_614 = arith.constant 48 : index
    %swap3A_615 = tpu.vector_load %arg9[%swap3A_613, %swap3A_614] {strides = array<i32>} : memref<16x128xf32, #tpu.memory_space<vmem>>, vector<16xf32>,
    tpu.vector_store %arg9[%swap3A_613, %swap3A_614], %broadcast_in_dim3A_12 {strides = array<i32>} : memref<16x128xf32, #tpu.memory_space<vmem>>, vector<16xf32>,
    %swap3A_616 = arith.constant 9 : i32
    %swap3A_617 = arith.index_cast %swap3A_616 : i32 to index
    %swap3A_618 = arith.constant 48 : index
    %swap3A_619 = tpu.vector_load %arg10[%swap3A_617, %swap3A_618] {strides = array<i32>} : memref<16x128xf32, #tpu.memory_space<vmem>>, vector<16xf32>,
    tpu.vector_store %arg10[%swap3A_617, %swap3A_618], %broadcast_in_dim3A_12 {strides = array<i32>} : memref<16x128xf32, #tpu.memory_space<vmem>>, vector<16xf32>,
    %swap3A_620 = arith.constant 9 : i32
    %swap3A_621 = arith.index_cast %swap3A_620 : i32 to index
    %swap3A_622 = arith.constant 64 : index
    %swap3A_623 = tpu.vector_load %arg9[%swap3A_621, %swap3A_622] {strides = array<i32>} : memref<16x128xf32, #tpu.memory_space<vmem>>, vector<16xf32>,
    tpu.vector_store %arg9[%swap3A_621, %swap3A_622], %broadcast_in_dim3A_12 {strides = array<i32>} : memref<16x128xf32, #tpu.memory_space<vmem>>, vector<16xf32>,
    %swap3A_624 = arith.constant 9 : i32
    %swap3A_625 = arith.index_cast %swap3A_624 : i32 to index
    %swap3A_626 = arith.constant 64 : index
    %swap3A_627 = tpu.vector_load %arg10[%swap3A_625, %swap3A_626] {strides = array<i32>} : memref<16x128xf32, #tpu.memory_space<vmem>>, vector<16xf32>,
    tpu.vector_store %arg10[%swap3A_625, %swap3A_626], %broadcast_in_dim3A_12 {strides = array<i32>} : memref<16x128xf32, #tpu.memory_space<vmem>>, vector<16xf32>,
    %swap3A_628 = arith.constant 9 : i32
    %swap3A_629 = arith.index_cast %swap3A_628 : i32 to index
    %swap3A_630 = arith.constant 80 : index
    %swap3A_631 = tpu.vector_load %arg9[%swap3A_629, %swap3A_630] {strides = array<i32>} : memref<16x128xf32, #tpu.memory_space<vmem>>, vector<16xf32>,
    tpu.vector_store %arg9[%swap3A_629, %swap3A_630], %broadcast_in_dim3A_12 {strides = array<i32>} : memref<16x128xf32, #tpu.memory_space<vmem>>, vector<16xf32>,
    %swap3A_632 = arith.constant 9 : i32
    %swap3A_633 = arith.index_cast %swap3A_632 : i32 to index
    %swap3A_634 = arith.constant 80 : index
    %swap3A_635 = tpu.vector_load %arg10[%swap3A_633, %swap3A_634] {strides = array<i32>} : memref<16x128xf32, #tpu.memory_space<vmem>>, vector<16xf32>,
    tpu.vector_store %arg10[%swap3A_633, %swap3A_634], %broadcast_in_dim3A_12 {strides = array<i32>} : memref<16x128xf32, #tpu.memory_space<vmem>>, vector<16xf32>,
    %swap3A_636 = arith.constant 9 : i32
    %swap3A_637 = arith.index_cast %swap3A_636 : i32 to index
    %swap3A_638 = arith.constant 96 : index
    %swap3A_639 = tpu.vector_load %arg9[%swap3A_637, %swap3A_638] {strides = array<i32>} : memref<16x128xf32, #tpu.memory_space<vmem>>, vector<16xf32>,
    tpu.vector_store %arg9[%swap3A_637, %swap3A_638], %broadcast_in_dim3A_12 {strides = array<i32>} : memref<16x128xf32, #tpu.memory_space<vmem>>, vector<16xf32>,
    %swap3A_640 = arith.constant 9 : i32
    %swap3A_641 = arith.index_cast %swap3A_640 : i32 to index
    %swap3A_642 = arith.constant 96 : index
    %swap3A_643 = tpu.vector_load %arg10[%swap3A_641, %swap3A_642] {strides = array<i32>} : memref<16x128xf32, #tpu.memory_space<vmem>>, vector<16xf32>,
    tpu.vector_store %arg10[%swap3A_641, %swap3A_642], %broadcast_in_dim3A_12 {strides = array<i32>} : memref<16x128xf32, #tpu.memory_space<vmem>>, vector<16xf32>,
    %swap3A_644 = arith.constant 9 : i32
    %swap3A_645 = arith.index_cast %swap3A_644 : i32 to index
    %swap3A_646 = arith.constant 112 : index
    %swap3A_647 = tpu.vector_load %arg9[%swap3A_645, %swap3A_646] {strides = array<i32>} : memref<16x128xf32, #tpu.memory_space<vmem>>, vector<16xf32>,
    tpu.vector_store %arg9[%swap3A_645, %swap3A_646], %broadcast_in_dim3A_12 {strides = array<i32>} : memref<16x128xf32, #tpu.memory_space<vmem>>, vector<16xf32>,
    %swap3A_648 = arith.constant 9 : i32
    %swap3A_649 = arith.index_cast %swap3A_648 : i32 to index
    %swap3A_650 = arith.constant 112 : index
    %swap3A_651 = tpu.vector_load %arg10[%swap3A_649, %swap3A_650] {strides = array<i32>} : memref<16x128xf32, #tpu.memory_space<vmem>>, vector<16xf32>,
    tpu.vector_store %arg10[%swap3A_649, %swap3A_650], %broadcast_in_dim3A_12 {strides = array<i32>} : memref<16x128xf32, #tpu.memory_space<vmem>>, vector<16xf32>,
    %swap3A_652 = arith.constant 10 : i32
    %swap3A_653 = arith.index_cast %swap3A_652 : i32 to index
    %swap3A_654 = arith.constant 0 : index
    %swap3A_655 = tpu.vector_load %arg9[%swap3A_653, %swap3A_654] {strides = array<i32>} : memref<16x128xf32, #tpu.memory_space<vmem>>, vector<16xf32>,
    tpu.vector_store %arg9[%swap3A_653, %swap3A_654], %broadcast_in_dim3A_12 {strides = array<i32>} : memref<16x128xf32, #tpu.memory_space<vmem>>, vector<16xf32>,
    %swap3A_656 = arith.constant 10 : i32
    %swap3A_657 = arith.index_cast %swap3A_656 : i32 to index
    %swap3A_658 = arith.constant 0 : index
    %swap3A_659 = tpu.vector_load %arg10[%swap3A_657, %swap3A_658] {strides = array<i32>} : memref<16x128xf32, #tpu.memory_space<vmem>>, vector<16xf32>,
    tpu.vector_store %arg10[%swap3A_657, %swap3A_658], %broadcast_in_dim3A_12 {strides = array<i32>} : memref<16x128xf32, #tpu.memory_space<vmem>>, vector<16xf32>,
    %swap3A_660 = arith.constant 10 : i32
    %swap3A_661 = arith.index_cast %swap3A_660 : i32 to index
    %swap3A_662 = arith.constant 16 : index
    %swap3A_663 = tpu.vector_load %arg9[%swap3A_661, %swap3A_662] {strides = array<i32>} : memref<16x128xf32, #tpu.memory_space<vmem>>, vector<16xf32>,
    tpu.vector_store %arg9[%swap3A_661, %swap3A_662], %broadcast_in_dim3A_12 {strides = array<i32>} : memref<16x128xf32, #tpu.memory_space<vmem>>, vector<16xf32>,
    %swap3A_664 = arith.constant 10 : i32
    %swap3A_665 = arith.index_cast %swap3A_664 : i32 to index
    %swap3A_666 = arith.constant 16 : index
    %swap3A_667 = tpu.vector_load %arg10[%swap3A_665, %swap3A_666] {strides = array<i32>} : memref<16x128xf32, #tpu.memory_space<vmem>>, vector<16xf32>,
    tpu.vector_store %arg10[%swap3A_665, %swap3A_666], %broadcast_in_dim3A_12 {strides = array<i32>} : memref<16x128xf32, #tpu.memory_space<vmem>>, vector<16xf32>,
    %swap3A_668 = arith.constant 10 : i32
    %swap3A_669 = arith.index_cast %swap3A_668 : i32 to index
    %swap3A_670 = arith.constant 32 : index
    %swap3A_671 = tpu.vector_load %arg9[%swap3A_669, %swap3A_670] {strides = array<i32>} : memref<16x128xf32, #tpu.memory_space<vmem>>, vector<16xf32>,
    tpu.vector_store %arg9[%swap3A_669, %swap3A_670], %broadcast_in_dim3A_12 {strides = array<i32>} : memref<16x128xf32, #tpu.memory_space<vmem>>, vector<16xf32>,
    %swap3A_672 = arith.constant 10 : i32
    %swap3A_673 = arith.index_cast %swap3A_672 : i32 to index
    %swap3A_674 = arith.constant 32 : index
    %swap3A_675 = tpu.vector_load %arg10[%swap3A_673, %swap3A_674] {strides = array<i32>} : memref<16x128xf32, #tpu.memory_space<vmem>>, vector<16xf32>,
    tpu.vector_store %arg10[%swap3A_673, %swap3A_674], %broadcast_in_dim3A_12 {strides = array<i32>} : memref<16x128xf32, #tpu.memory_space<vmem>>, vector<16xf32>,
    %swap3A_676 = arith.constant 10 : i32
    %swap3A_677 = arith.index_cast %swap3A_676 : i32 to index
    %swap3A_678 = arith.constant 48 : index
    %swap3A_679 = tpu.vector_load %arg9[%swap3A_677, %swap3A_678] {strides = array<i32>} : memref<16x128xf32, #tpu.memory_space<vmem>>, vector<16xf32>,
    tpu.vector_store %arg9[%swap3A_677, %swap3A_678], %broadcast_in_dim3A_12 {strides = array<i32>} : memref<16x128xf32, #tpu.memory_space<vmem>>, vector<16xf32>,
    %swap3A_680 = arith.constant 10 : i32
    %swap3A_681 = arith.index_cast %swap3A_680 : i32 to index
    %swap3A_682 = arith.constant 48 : index
    %swap3A_683 = tpu.vector_load %arg10[%swap3A_681, %swap3A_682] {strides = array<i32>} : memref<16x128xf32, #tpu.memory_space<vmem>>, vector<16xf32>,
    tpu.vector_store %arg10[%swap3A_681, %swap3A_682], %broadcast_in_dim3A_12 {strides = array<i32>} : memref<16x128xf32, #tpu.memory_space<vmem>>, vector<16xf32>,
    %swap3A_684 = arith.constant 10 : i32
    %swap3A_685 = arith.index_cast %swap3A_684 : i32 to index
    %swap3A_686 = arith.constant 64 : index
    %swap3A_687 = tpu.vector_load %arg9[%swap3A_685, %swap3A_686] {strides = array<i32>} : memref<16x128xf32, #tpu.memory_space<vmem>>, vector<16xf32>,
    tpu.vector_store %arg9[%swap3A_685, %swap3A_686], %broadcast_in_dim3A_12 {strides = array<i32>} : memref<16x128xf32, #tpu.memory_space<vmem>>, vector<16xf32>,
    %swap3A_688 = arith.constant 10 : i32
    %swap3A_689 = arith.index_cast %swap3A_688 : i32 to index
    %swap3A_690 = arith.constant 64 : index
    %swap3A_691 = tpu.vector_load %arg10[%swap3A_689, %swap3A_690] {strides = array<i32>} : memref<16x128xf32, #tpu.memory_space<vmem>>, vector<16xf32>,
    tpu.vector_store %arg10[%swap3A_689, %swap3A_690], %broadcast_in_dim3A_12 {strides = array<i32>} : memref<16x128xf32, #tpu.memory_space<vmem>>, vector<16xf32>,
    %swap3A_692 = arith.constant 10 : i32
    %swap3A_693 = arith.index_cast %swap3A_692 : i32 to index
    %swap3A_694 = arith.constant 80 : index
    %swap3A_695 = tpu.vector_load %arg9[%swap3A_693, %swap3A_694] {strides = array<i32>} : memref<16x128xf32, #tpu.memory_space<vmem>>, vector<16xf32>,
    tpu.vector_store %arg9[%swap3A_693, %swap3A_694], %broadcast_in_dim3A_12 {strides = array<i32>} : memref<16x128xf32, #tpu.memory_space<vmem>>, vector<16xf32>,
    %swap3A_696 = arith.constant 10 : i32
    %swap3A_697 = arith.index_cast %swap3A_696 : i32 to index
    %swap3A_698 = arith.constant 80 : index
    %swap3A_699 = tpu.vector_load %arg10[%swap3A_697, %swap3A_698] {strides = array<i32>} : memref<16x128xf32, #tpu.memory_space<vmem>>, vector<16xf32>,
    tpu.vector_store %arg10[%swap3A_697, %swap3A_698], %broadcast_in_dim3A_12 {strides = array<i32>} : memref<16x128xf32, #tpu.memory_space<vmem>>, vector<16xf32>,
    %swap3A_700 = arith.constant 10 : i32
    %swap3A_701 = arith.index_cast %swap3A_700 : i32 to index
    %swap3A_702 = arith.constant 96 : index
    %swap3A_703 = tpu.vector_load %arg9[%swap3A_701, %swap3A_702] {strides = array<i32>} : memref<16x128xf32, #tpu.memory_space<vmem>>, vector<16xf32>,
    tpu.vector_store %arg9[%swap3A_701, %swap3A_702], %broadcast_in_dim3A_12 {strides = array<i32>} : memref<16x128xf32, #tpu.memory_space<vmem>>, vector<16xf32>,
    %swap3A_704 = arith.constant 10 : i32
    %swap3A_705 = arith.index_cast %swap3A_704 : i32 to index
    %swap3A_706 = arith.constant 96 : index
    %swap3A_707 = tpu.vector_load %arg10[%swap3A_705, %swap3A_706] {strides = array<i32>} : memref<16x128xf32, #tpu.memory_space<vmem>>, vector<16xf32>,
    tpu.vector_store %arg10[%swap3A_705, %swap3A_706], %broadcast_in_dim3A_12 {strides = array<i32>} : memref<16x128xf32, #tpu.memory_space<vmem>>, vector<16xf32>,
    %swap3A_708 = arith.constant 10 : i32
    %swap3A_709 = arith.index_cast %swap3A_708 : i32 to index
    %swap3A_710 = arith.constant 112 : index
    %swap3A_711 = tpu.vector_load %arg9[%swap3A_709, %swap3A_710] {strides = array<i32>} : memref<16x128xf32, #tpu.memory_space<vmem>>, vector<16xf32>,
    tpu.vector_store %arg9[%swap3A_709, %swap3A_710], %broadcast_in_dim3A_12 {strides = array<i32>} : memref<16x128xf32, #tpu.memory_space<vmem>>, vector<16xf32>,
    %swap3A_712 = arith.constant 10 : i32
    %swap3A_713 = arith.index_cast %swap3A_712 : i32 to index
    %swap3A_714 = arith.constant 112 : index
    %swap3A_715 = tpu.vector_load %arg10[%swap3A_713, %swap3A_714] {strides = array<i32>} : memref<16x128xf32, #tpu.memory_space<vmem>>, vector<16xf32>,
    tpu.vector_store %arg10[%swap3A_713, %swap3A_714], %broadcast_in_dim3A_12 {strides = array<i32>} : memref<16x128xf32, #tpu.memory_space<vmem>>, vector<16xf32>,
    %swap3A_716 = arith.constant 11 : i32
    %swap3A_717 = arith.index_cast %swap3A_716 : i32 to index
    %swap3A_718 = arith.constant 0 : index
    %swap3A_719 = tpu.vector_load %arg9[%swap3A_717, %swap3A_718] {strides = array<i32>} : memref<16x128xf32, #tpu.memory_space<vmem>>, vector<16xf32>,
    tpu.vector_store %arg9[%swap3A_717, %swap3A_718], %broadcast_in_dim3A_12 {strides = array<i32>} : memref<16x128xf32, #tpu.memory_space<vmem>>, vector<16xf32>,
    %swap3A_720 = arith.constant 11 : i32
    %swap3A_721 = arith.index_cast %swap3A_720 : i32 to index
    %swap3A_722 = arith.constant 0 : index
    %swap3A_723 = tpu.vector_load %arg10[%swap3A_721, %swap3A_722] {strides = array<i32>} : memref<16x128xf32, #tpu.memory_space<vmem>>, vector<16xf32>,
    tpu.vector_store %arg10[%swap3A_721, %swap3A_722], %broadcast_in_dim3A_12 {strides = array<i32>} : memref<16x128xf32, #tpu.memory_space<vmem>>, vector<16xf32>,
    %swap3A_724 = arith.constant 11 : i32
    %swap3A_725 = arith.index_cast %swap3A_724 : i32 to index
    %swap3A_726 = arith.constant 16 : index
    %swap3A_727 = tpu.vector_load %arg9[%swap3A_725, %swap3A_726] {strides = array<i32>} : memref<16x128xf32, #tpu.memory_space<vmem>>, vector<16xf32>,
    tpu.vector_store %arg9[%swap3A_725, %swap3A_726], %broadcast_in_dim3A_12 {strides = array<i32>} : memref<16x128xf32, #tpu.memory_space<vmem>>, vector<16xf32>,
    %swap3A_728 = arith.constant 11 : i32
    %swap3A_729 = arith.index_cast %swap3A_728 : i32 to index
    %swap3A_730 = arith.constant 16 : index
    %swap3A_731 = tpu.vector_load %arg10[%swap3A_729, %swap3A_730] {strides = array<i32>} : memref<16x128xf32, #tpu.memory_space<vmem>>, vector<16xf32>,
    tpu.vector_store %arg10[%swap3A_729, %swap3A_730], %broadcast_in_dim3A_12 {strides = array<i32>} : memref<16x128xf32, #tpu.memory_space<vmem>>, vector<16xf32>,
    %swap3A_732 = arith.constant 11 : i32
    %swap3A_733 = arith.index_cast %swap3A_732 : i32 to index
    %swap3A_734 = arith.constant 32 : index
    %swap3A_735 = tpu.vector_load %arg9[%swap3A_733, %swap3A_734] {strides = array<i32>} : memref<16x128xf32, #tpu.memory_space<vmem>>, vector<16xf32>,
    tpu.vector_store %arg9[%swap3A_733, %swap3A_734], %broadcast_in_dim3A_12 {strides = array<i32>} : memref<16x128xf32, #tpu.memory_space<vmem>>, vector<16xf32>,
    %swap3A_736 = arith.constant 11 : i32
    %swap3A_737 = arith.index_cast %swap3A_736 : i32 to index
    %swap3A_738 = arith.constant 32 : index
    %swap3A_739 = tpu.vector_load %arg10[%swap3A_737, %swap3A_738] {strides = array<i32>} : memref<16x128xf32, #tpu.memory_space<vmem>>, vector<16xf32>,
    tpu.vector_store %arg10[%swap3A_737, %swap3A_738], %broadcast_in_dim3A_12 {strides = array<i32>} : memref<16x128xf32, #tpu.memory_space<vmem>>, vector<16xf32>,
    %swap3A_740 = arith.constant 11 : i32
    %swap3A_741 = arith.index_cast %swap3A_740 : i32 to index
    %swap3A_742 = arith.constant 48 : index
    %swap3A_743 = tpu.vector_load %arg9[%swap3A_741, %swap3A_742] {strides = array<i32>} : memref<16x128xf32, #tpu.memory_space<vmem>>, vector<16xf32>,
    tpu.vector_store %arg9[%swap3A_741, %swap3A_742], %broadcast_in_dim3A_12 {strides = array<i32>} : memref<16x128xf32, #tpu.memory_space<vmem>>, vector<16xf32>,
    %swap3A_744 = arith.constant 11 : i32
    %swap3A_745 = arith.index_cast %swap3A_744 : i32 to index
    %swap3A_746 = arith.constant 48 : index
    %swap3A_747 = tpu.vector_load %arg10[%swap3A_745, %swap3A_746] {strides = array<i32>} : memref<16x128xf32, #tpu.memory_space<vmem>>, vector<16xf32>,
    tpu.vector_store %arg10[%swap3A_745, %swap3A_746], %broadcast_in_dim3A_12 {strides = array<i32>} : memref<16x128xf32, #tpu.memory_space<vmem>>, vector<16xf32>,
    %swap3A_748 = arith.constant 11 : i32
    %swap3A_749 = arith.index_cast %swap3A_748 : i32 to index
    %swap3A_750 = arith.constant 64 : index
    %swap3A_751 = tpu.vector_load %arg9[%swap3A_749, %swap3A_750] {strides = array<i32>} : memref<16x128xf32, #tpu.memory_space<vmem>>, vector<16xf32>,
    tpu.vector_store %arg9[%swap3A_749, %swap3A_750], %broadcast_in_dim3A_12 {strides = array<i32>} : memref<16x128xf32, #tpu.memory_space<vmem>>, vector<16xf32>,
    %swap3A_752 = arith.constant 11 : i32
    %swap3A_753 = arith.index_cast %swap3A_752 : i32 to index
    %swap3A_754 = arith.constant 64 : index
    %swap3A_755 = tpu.vector_load %arg10[%swap3A_753, %swap3A_754] {strides = array<i32>} : memref<16x128xf32, #tpu.memory_space<vmem>>, vector<16xf32>,
    tpu.vector_store %arg10[%swap3A_753, %swap3A_754], %broadcast_in_dim3A_12 {strides = array<i32>} : memref<16x128xf32, #tpu.memory_space<vmem>>, vector<16xf32>,
    %swap3A_756 = arith.constant 11 : i32
    %swap3A_757 = arith.index_cast %swap3A_756 : i32 to index
    %swap3A_758 = arith.constant 80 : index
    %swap3A_759 = tpu.vector_load %arg9[%swap3A_757, %swap3A_758] {strides = array<i32>} : memref<16x128xf32, #tpu.memory_space<vmem>>, vector<16xf32>,
    tpu.vector_store %arg9[%swap3A_757, %swap3A_758], %broadcast_in_dim3A_12 {strides = array<i32>} : memref<16x128xf32, #tpu.memory_space<vmem>>, vector<16xf32>,
    %swap3A_760 = arith.constant 11 : i32
    %swap3A_761 = arith.index_cast %swap3A_760 : i32 to index
    %swap3A_762 = arith.constant 80 : index
    %swap3A_763 = tpu.vector_load %arg10[%swap3A_761, %swap3A_762] {strides = array<i32>} : memref<16x128xf32, #tpu.memory_space<vmem>>, vector<16xf32>,
    tpu.vector_store %arg10[%swap3A_761, %swap3A_762], %broadcast_in_dim3A_12 {strides = array<i32>} : memref<16x128xf32, #tpu.memory_space<vmem>>, vector<16xf32>,
    %swap3A_764 = arith.constant 11 : i32
    %swap3A_765 = arith.index_cast %swap3A_764 : i32 to index
    %swap3A_766 = arith.constant 96 : index
    %swap3A_767 = tpu.vector_load %arg9[%swap3A_765, %swap3A_766] {strides = array<i32>} : memref<16x128xf32, #tpu.memory_space<vmem>>, vector<16xf32>,
    tpu.vector_store %arg9[%swap3A_765, %swap3A_766], %broadcast_in_dim3A_12 {strides = array<i32>} : memref<16x128xf32, #tpu.memory_space<vmem>>, vector<16xf32>,
    %swap3A_768 = arith.constant 11 : i32
    %swap3A_769 = arith.index_cast %swap3A_768 : i32 to index
    %swap3A_770 = arith.constant 96 : index
    %swap3A_771 = tpu.vector_load %arg10[%swap3A_769, %swap3A_770] {strides = array<i32>} : memref<16x128xf32, #tpu.memory_space<vmem>>, vector<16xf32>,
    tpu.vector_store %arg10[%swap3A_769, %swap3A_770], %broadcast_in_dim3A_12 {strides = array<i32>} : memref<16x128xf32, #tpu.memory_space<vmem>>, vector<16xf32>,
    %swap3A_772 = arith.constant 11 : i32
    %swap3A_773 = arith.index_cast %swap3A_772 : i32 to index
    %swap3A_774 = arith.constant 112 : index
    %swap3A_775 = tpu.vector_load %arg9[%swap3A_773, %swap3A_774] {strides = array<i32>} : memref<16x128xf32, #tpu.memory_space<vmem>>, vector<16xf32>,
    tpu.vector_store %arg9[%swap3A_773, %swap3A_774], %broadcast_in_dim3A_12 {strides = array<i32>} : memref<16x128xf32, #tpu.memory_space<vmem>>, vector<16xf32>,
    %swap3A_776 = arith.constant 11 : i32
    %swap3A_777 = arith.index_cast %swap3A_776 : i32 to index
    %swap3A_778 = arith.constant 112 : index
    %swap3A_779 = tpu.vector_load %arg10[%swap3A_777, %swap3A_778] {strides = array<i32>} : memref<16x128xf32, #tpu.memory_space<vmem>>, vector<16xf32>,
    tpu.vector_store %arg10[%swap3A_777, %swap3A_778], %broadcast_in_dim3A_12 {strides = array<i32>} : memref<16x128xf32, #tpu.memory_space<vmem>>, vector<16xf32>,
    %swap3A_780 = arith.constant 12 : i32
    %swap3A_781 = arith.index_cast %swap3A_780 : i32 to index
    %swap3A_782 = arith.constant 0 : index
    %swap3A_783 = tpu.vector_load %arg9[%swap3A_781, %swap3A_782] {strides = array<i32>} : memref<16x128xf32, #tpu.memory_space<vmem>>, vector<16xf32>,
    tpu.vector_store %arg9[%swap3A_781, %swap3A_782], %broadcast_in_dim3A_12 {strides = array<i32>} : memref<16x128xf32, #tpu.memory_space<vmem>>, vector<16xf32>,
    %swap3A_784 = arith.constant 12 : i32
    %swap3A_785 = arith.index_cast %swap3A_784 : i32 to index
    %swap3A_786 = arith.constant 0 : index
    %swap3A_787 = tpu.vector_load %arg10[%swap3A_785, %swap3A_786] {strides = array<i32>} : memref<16x128xf32, #tpu.memory_space<vmem>>, vector<16xf32>,
    tpu.vector_store %arg10[%swap3A_785, %swap3A_786], %broadcast_in_dim3A_12 {strides = array<i32>} : memref<16x128xf32, #tpu.memory_space<vmem>>, vector<16xf32>,
    %swap3A_788 = arith.constant 12 : i32
    %swap3A_789 = arith.index_cast %swap3A_788 : i32 to index
    %swap3A_790 = arith.constant 16 : index
    %swap3A_791 = tpu.vector_load %arg9[%swap3A_789, %swap3A_790] {strides = array<i32>} : memref<16x128xf32, #tpu.memory_space<vmem>>, vector<16xf32>,
    tpu.vector_store %arg9[%swap3A_789, %swap3A_790], %broadcast_in_dim3A_12 {strides = array<i32>} : memref<16x128xf32, #tpu.memory_space<vmem>>, vector<16xf32>,
    %swap3A_792 = arith.constant 12 : i32
    %swap3A_793 = arith.index_cast %swap3A_792 : i32 to index
    %swap3A_794 = arith.constant 16 : index
    %swap3A_795 = tpu.vector_load %arg10[%swap3A_793, %swap3A_794] {strides = array<i32>} : memref<16x128xf32, #tpu.memory_space<vmem>>, vector<16xf32>,
    tpu.vector_store %arg10[%swap3A_793, %swap3A_794], %broadcast_in_dim3A_12 {strides = array<i32>} : memref<16x128xf32, #tpu.memory_space<vmem>>, vector<16xf32>,
    %swap3A_796 = arith.constant 12 : i32
    %swap3A_797 = arith.index_cast %swap3A_796 : i32 to index
    %swap3A_798 = arith.constant 32 : index
    %swap3A_799 = tpu.vector_load %arg9[%swap3A_797, %swap3A_798] {strides = array<i32>} : memref<16x128xf32, #tpu.memory_space<vmem>>, vector<16xf32>,
    tpu.vector_store %arg9[%swap3A_797, %swap3A_798], %broadcast_in_dim3A_12 {strides = array<i32>} : memref<16x128xf32, #tpu.memory_space<vmem>>, vector<16xf32>,
    %swap3A_800 = arith.constant 12 : i32
    %swap3A_801 = arith.index_cast %swap3A_800 : i32 to index
    %swap3A_802 = arith.constant 32 : index
    %swap3A_803 = tpu.vector_load %arg10[%swap3A_801, %swap3A_802] {strides = array<i32>} : memref<16x128xf32, #tpu.memory_space<vmem>>, vector<16xf32>,
    tpu.vector_store %arg10[%swap3A_801, %swap3A_802], %broadcast_in_dim3A_12 {strides = array<i32>} : memref<16x128xf32, #tpu.memory_space<vmem>>, vector<16xf32>,
    %swap3A_804 = arith.constant 12 : i32
    %swap3A_805 = arith.index_cast %swap3A_804 : i32 to index
    %swap3A_806 = arith.constant 48 : index
    %swap3A_807 = tpu.vector_load %arg9[%swap3A_805, %swap3A_806] {strides = array<i32>} : memref<16x128xf32, #tpu.memory_space<vmem>>, vector<16xf32>,
    tpu.vector_store %arg9[%swap3A_805, %swap3A_806], %broadcast_in_dim3A_12 {strides = array<i32>} : memref<16x128xf32, #tpu.memory_space<vmem>>, vector<16xf32>,
    %swap3A_808 = arith.constant 12 : i32
    %swap3A_809 = arith.index_cast %swap3A_808 : i32 to index
    %swap3A_810 = arith.constant 48 : index
    %swap3A_811 = tpu.vector_load %arg10[%swap3A_809, %swap3A_810] {strides = array<i32>} : memref<16x128xf32, #tpu.memory_space<vmem>>, vector<16xf32>,
    tpu.vector_store %arg10[%swap3A_809, %swap3A_810], %broadcast_in_dim3A_12 {strides = array<i32>} : memref<16x128xf32, #tpu.memory_space<vmem>>, vector<16xf32>,
    %swap3A_812 = arith.constant 12 : i32
    %swap3A_813 = arith.index_cast %swap3A_812 : i32 to index
    %swap3A_814 = arith.constant 64 : index
    %swap3A_815 = tpu.vector_load %arg9[%swap3A_813, %swap3A_814] {strides = array<i32>} : memref<16x128xf32, #tpu.memory_space<vmem>>, vector<16xf32>,
    tpu.vector_store %arg9[%swap3A_813, %swap3A_814], %broadcast_in_dim3A_12 {strides = array<i32>} : memref<16x128xf32, #tpu.memory_space<vmem>>, vector<16xf32>,
    %swap3A_816 = arith.constant 12 : i32
    %swap3A_817 = arith.index_cast %swap3A_816 : i32 to index
    %swap3A_818 = arith.constant 64 : index
    %swap3A_819 = tpu.vector_load %arg10[%swap3A_817, %swap3A_818] {strides = array<i32>} : memref<16x128xf32, #tpu.memory_space<vmem>>, vector<16xf32>,
    tpu.vector_store %arg10[%swap3A_817, %swap3A_818], %broadcast_in_dim3A_12 {strides = array<i32>} : memref<16x128xf32, #tpu.memory_space<vmem>>, vector<16xf32>,
    %swap3A_820 = arith.constant 12 : i32
    %swap3A_821 = arith.index_cast %swap3A_820 : i32 to index
    %swap3A_822 = arith.constant 80 : index
    %swap3A_823 = tpu.vector_load %arg9[%swap3A_821, %swap3A_822] {strides = array<i32>} : memref<16x128xf32, #tpu.memory_space<vmem>>, vector<16xf32>,
    tpu.vector_store %arg9[%swap3A_821, %swap3A_822], %broadcast_in_dim3A_12 {strides = array<i32>} : memref<16x128xf32, #tpu.memory_space<vmem>>, vector<16xf32>,
    %swap3A_824 = arith.constant 12 : i32
    %swap3A_825 = arith.index_cast %swap3A_824 : i32 to index
    %swap3A_826 = arith.constant 80 : index
    %swap3A_827 = tpu.vector_load %arg10[%swap3A_825, %swap3A_826] {strides = array<i32>} : memref<16x128xf32, #tpu.memory_space<vmem>>, vector<16xf32>,
    tpu.vector_store %arg10[%swap3A_825, %swap3A_826], %broadcast_in_dim3A_12 {strides = array<i32>} : memref<16x128xf32, #tpu.memory_space<vmem>>, vector<16xf32>,
    %swap3A_828 = arith.constant 12 : i32
    %swap3A_829 = arith.index_cast %swap3A_828 : i32 to index
    %swap3A_830 = arith.constant 96 : index
    %swap3A_831 = tpu.vector_load %arg9[%swap3A_829, %swap3A_830] {strides = array<i32>} : memref<16x128xf32, #tpu.memory_space<vmem>>, vector<16xf32>,
    tpu.vector_store %arg9[%swap3A_829, %swap3A_830], %broadcast_in_dim3A_12 {strides = array<i32>} : memref<16x128xf32, #tpu.memory_space<vmem>>, vector<16xf32>,
    %swap3A_832 = arith.constant 12 : i32
    %swap3A_833 = arith.index_cast %swap3A_832 : i32 to index
    %swap3A_834 = arith.constant 96 : index
    %swap3A_835 = tpu.vector_load %arg10[%swap3A_833, %swap3A_834] {strides = array<i32>} : memref<16x128xf32, #tpu.memory_space<vmem>>, vector<16xf32>,
    tpu.vector_store %arg10[%swap3A_833, %swap3A_834], %broadcast_in_dim3A_12 {strides = array<i32>} : memref<16x128xf32, #tpu.memory_space<vmem>>, vector<16xf32>,
    %swap3A_836 = arith.constant 12 : i32
    %swap3A_837 = arith.index_cast %swap3A_836 : i32 to index
    %swap3A_838 = arith.constant 112 : index
    %swap3A_839 = tpu.vector_load %arg9[%swap3A_837, %swap3A_838] {strides = array<i32>} : memref<16x128xf32, #tpu.memory_space<vmem>>, vector<16xf32>,
    tpu.vector_store %arg9[%swap3A_837, %swap3A_838], %broadcast_in_dim3A_12 {strides = array<i32>} : memref<16x128xf32, #tpu.memory_space<vmem>>, vector<16xf32>,
    %swap3A_840 = arith.constant 12 : i32
    %swap3A_841 = arith.index_cast %swap3A_840 : i32 to index
    %swap3A_842 = arith.constant 112 : index
    %swap3A_843 = tpu.vector_load %arg10[%swap3A_841, %swap3A_842] {strides = array<i32>} : memref<16x128xf32, #tpu.memory_space<vmem>>, vector<16xf32>,
    tpu.vector_store %arg10[%swap3A_841, %swap3A_842], %broadcast_in_dim3A_12 {strides = array<i32>} : memref<16x128xf32, #tpu.memory_space<vmem>>, vector<16xf32>,
    %swap3A_844 = arith.constant 13 : i32
    %swap3A_845 = arith.index_cast %swap3A_844 : i32 to index
    %swap3A_846 = arith.constant 0 : index
    %swap3A_847 = tpu.vector_load %arg9[%swap3A_845, %swap3A_846] {strides = array<i32>} : memref<16x128xf32, #tpu.memory_space<vmem>>, vector<16xf32>,
    tpu.vector_store %arg9[%swap3A_845, %swap3A_846], %broadcast_in_dim3A_12 {strides = array<i32>} : memref<16x128xf32, #tpu.memory_space<vmem>>, vector<16xf32>,
    %swap3A_848 = arith.constant 13 : i32
    %swap3A_849 = arith.index_cast %swap3A_848 : i32 to index
    %swap3A_850 = arith.constant 0 : index
    %swap3A_851 = tpu.vector_load %arg10[%swap3A_849, %swap3A_850] {strides = array<i32>} : memref<16x128xf32, #tpu.memory_space<vmem>>, vector<16xf32>,
    tpu.vector_store %arg10[%swap3A_849, %swap3A_850], %broadcast_in_dim3A_12 {strides = array<i32>} : memref<16x128xf32, #tpu.memory_space<vmem>>, vector<16xf32>,
    %swap3A_852 = arith.constant 13 : i32
    %swap3A_853 = arith.index_cast %swap3A_852 : i32 to index
    %swap3A_854 = arith.constant 16 : index
    %swap3A_855 = tpu.vector_load %arg9[%swap3A_853, %swap3A_854] {strides = array<i32>} : memref<16x128xf32, #tpu.memory_space<vmem>>, vector<16xf32>,
    tpu.vector_store %arg9[%swap3A_853, %swap3A_854], %broadcast_in_dim3A_12 {strides = array<i32>} : memref<16x128xf32, #tpu.memory_space<vmem>>, vector<16xf32>,
    %swap3A_856 = arith.constant 13 : i32
    %swap3A_857 = arith.index_cast %swap3A_856 : i32 to index
    %swap3A_858 = arith.constant 16 : index
    %swap3A_859 = tpu.vector_load %arg10[%swap3A_857, %swap3A_858] {strides = array<i32>} : memref<16x128xf32, #tpu.memory_space<vmem>>, vector<16xf32>,
    tpu.vector_store %arg10[%swap3A_857, %swap3A_858], %broadcast_in_dim3A_12 {strides = array<i32>} : memref<16x128xf32, #tpu.memory_space<vmem>>, vector<16xf32>,
    %swap3A_860 = arith.constant 13 : i32
    %swap3A_861 = arith.index_cast %swap3A_860 : i32 to index
    %swap3A_862 = arith.constant 32 : index
    %swap3A_863 = tpu.vector_load %arg9[%swap3A_861, %swap3A_862] {strides = array<i32>} : memref<16x128xf32, #tpu.memory_space<vmem>>, vector<16xf32>,
    tpu.vector_store %arg9[%swap3A_861, %swap3A_862], %broadcast_in_dim3A_12 {strides = array<i32>} : memref<16x128xf32, #tpu.memory_space<vmem>>, vector<16xf32>,
    %swap3A_864 = arith.constant 13 : i32
    %swap3A_865 = arith.index_cast %swap3A_864 : i32 to index
    %swap3A_866 = arith.constant 32 : index
    %swap3A_867 = tpu.vector_load %arg10[%swap3A_865, %swap3A_866] {strides = array<i32>} : memref<16x128xf32, #tpu.memory_space<vmem>>, vector<16xf32>,
    tpu.vector_store %arg10[%swap3A_865, %swap3A_866], %broadcast_in_dim3A_12 {strides = array<i32>} : memref<16x128xf32, #tpu.memory_space<vmem>>, vector<16xf32>,
    %swap3A_868 = arith.constant 13 : i32
    %swap3A_869 = arith.index_cast %swap3A_868 : i32 to index
    %swap3A_870 = arith.constant 48 : index
    %swap3A_871 = tpu.vector_load %arg9[%swap3A_869, %swap3A_870] {strides = array<i32>} : memref<16x128xf32, #tpu.memory_space<vmem>>, vector<16xf32>,
    tpu.vector_store %arg9[%swap3A_869, %swap3A_870], %broadcast_in_dim3A_12 {strides = array<i32>} : memref<16x128xf32, #tpu.memory_space<vmem>>, vector<16xf32>,
    %swap3A_872 = arith.constant 13 : i32
    %swap3A_873 = arith.index_cast %swap3A_872 : i32 to index
    %swap3A_874 = arith.constant 48 : index
    %swap3A_875 = tpu.vector_load %arg10[%swap3A_873, %swap3A_874] {strides = array<i32>} : memref<16x128xf32, #tpu.memory_space<vmem>>, vector<16xf32>,
    tpu.vector_store %arg10[%swap3A_873, %swap3A_874], %broadcast_in_dim3A_12 {strides = array<i32>} : memref<16x128xf32, #tpu.memory_space<vmem>>, vector<16xf32>,
    %swap3A_876 = arith.constant 13 : i32
    %swap3A_877 = arith.index_cast %swap3A_876 : i32 to index
    %swap3A_878 = arith.constant 64 : index
    %swap3A_879 = tpu.vector_load %arg9[%swap3A_877, %swap3A_878] {strides = array<i32>} : memref<16x128xf32, #tpu.memory_space<vmem>>, vector<16xf32>,
    tpu.vector_store %arg9[%swap3A_877, %swap3A_878], %broadcast_in_dim3A_12 {strides = array<i32>} : memref<16x128xf32, #tpu.memory_space<vmem>>, vector<16xf32>,
    %swap3A_880 = arith.constant 13 : i32
    %swap3A_881 = arith.index_cast %swap3A_880 : i32 to index
    %swap3A_882 = arith.constant 64 : index
    %swap3A_883 = tpu.vector_load %arg10[%swap3A_881, %swap3A_882] {strides = array<i32>} : memref<16x128xf32, #tpu.memory_space<vmem>>, vector<16xf32>,
    tpu.vector_store %arg10[%swap3A_881, %swap3A_882], %broadcast_in_dim3A_12 {strides = array<i32>} : memref<16x128xf32, #tpu.memory_space<vmem>>, vector<16xf32>,
    %swap3A_884 = arith.constant 13 : i32
    %swap3A_885 = arith.index_cast %swap3A_884 : i32 to index
    %swap3A_886 = arith.constant 80 : index
    %swap3A_887 = tpu.vector_load %arg9[%swap3A_885, %swap3A_886] {strides = array<i32>} : memref<16x128xf32, #tpu.memory_space<vmem>>, vector<16xf32>,
    tpu.vector_store %arg9[%swap3A_885, %swap3A_886], %broadcast_in_dim3A_12 {strides = array<i32>} : memref<16x128xf32, #tpu.memory_space<vmem>>, vector<16xf32>,
    %swap3A_888 = arith.constant 13 : i32
    %swap3A_889 = arith.index_cast %swap3A_888 : i32 to index
    %swap3A_890 = arith.constant 80 : index
    %swap3A_891 = tpu.vector_load %arg10[%swap3A_889, %swap3A_890] {strides = array<i32>} : memref<16x128xf32, #tpu.memory_space<vmem>>, vector<16xf32>,
    tpu.vector_store %arg10[%swap3A_889, %swap3A_890], %broadcast_in_dim3A_12 {strides = array<i32>} : memref<16x128xf32, #tpu.memory_space<vmem>>, vector<16xf32>,
    %swap3A_892 = arith.constant 13 : i32
    %swap3A_893 = arith.index_cast %swap3A_892 : i32 to index
    %swap3A_894 = arith.constant 96 : index
    %swap3A_895 = tpu.vector_load %arg9[%swap3A_893, %swap3A_894] {strides = array<i32>} : memref<16x128xf32, #tpu.memory_space<vmem>>, vector<16xf32>,
    tpu.vector_store %arg9[%swap3A_893, %swap3A_894], %broadcast_in_dim3A_12 {strides = array<i32>} : memref<16x128xf32, #tpu.memory_space<vmem>>, vector<16xf32>,
    %swap3A_896 = arith.constant 13 : i32
    %swap3A_897 = arith.index_cast %swap3A_896 : i32 to index
    %swap3A_898 = arith.constant 96 : index
    %swap3A_899 = tpu.vector_load %arg10[%swap3A_897, %swap3A_898] {strides = array<i32>} : memref<16x128xf32, #tpu.memory_space<vmem>>, vector<16xf32>,
    tpu.vector_store %arg10[%swap3A_897, %swap3A_898], %broadcast_in_dim3A_12 {strides = array<i32>} : memref<16x128xf32, #tpu.memory_space<vmem>>, vector<16xf32>,
    %swap3A_900 = arith.constant 13 : i32
    %swap3A_901 = arith.index_cast %swap3A_900 : i32 to index
    %swap3A_902 = arith.constant 112 : index
    %swap3A_903 = tpu.vector_load %arg9[%swap3A_901, %swap3A_902] {strides = array<i32>} : memref<16x128xf32, #tpu.memory_space<vmem>>, vector<16xf32>,
    tpu.vector_store %arg9[%swap3A_901, %swap3A_902], %broadcast_in_dim3A_12 {strides = array<i32>} : memref<16x128xf32, #tpu.memory_space<vmem>>, vector<16xf32>,
    %swap3A_904 = arith.constant 13 : i32
    %swap3A_905 = arith.index_cast %swap3A_904 : i32 to index
    %swap3A_906 = arith.constant 112 : index
    %swap3A_907 = tpu.vector_load %arg10[%swap3A_905, %swap3A_906] {strides = array<i32>} : memref<16x128xf32, #tpu.memory_space<vmem>>, vector<16xf32>,
    tpu.vector_store %arg10[%swap3A_905, %swap3A_906], %broadcast_in_dim3A_12 {strides = array<i32>} : memref<16x128xf32, #tpu.memory_space<vmem>>, vector<16xf32>,
    %swap3A_908 = arith.constant 14 : i32
    %swap3A_909 = arith.index_cast %swap3A_908 : i32 to index
    %swap3A_910 = arith.constant 0 : index
    %swap3A_911 = tpu.vector_load %arg9[%swap3A_909, %swap3A_910] {strides = array<i32>} : memref<16x128xf32, #tpu.memory_space<vmem>>, vector<16xf32>,
    tpu.vector_store %arg9[%swap3A_909, %swap3A_910], %broadcast_in_dim3A_12 {strides = array<i32>} : memref<16x128xf32, #tpu.memory_space<vmem>>, vector<16xf32>,
    %swap3A_912 = arith.constant 14 : i32
    %swap3A_913 = arith.index_cast %swap3A_912 : i32 to index
    %swap3A_914 = arith.constant 0 : index
    %swap3A_915 = tpu.vector_load %arg10[%swap3A_913, %swap3A_914] {strides = array<i32>} : memref<16x128xf32, #tpu.memory_space<vmem>>, vector<16xf32>,
    tpu.vector_store %arg10[%swap3A_913, %swap3A_914], %broadcast_in_dim3A_12 {strides = array<i32>} : memref<16x128xf32, #tpu.memory_space<vmem>>, vector<16xf32>,
    %swap3A_916 = arith.constant 14 : i32
    %swap3A_917 = arith.index_cast %swap3A_916 : i32 to index
    %swap3A_918 = arith.constant 16 : index
    %swap3A_919 = tpu.vector_load %arg9[%swap3A_917, %swap3A_918] {strides = array<i32>} : memref<16x128xf32, #tpu.memory_space<vmem>>, vector<16xf32>,
    tpu.vector_store %arg9[%swap3A_917, %swap3A_918], %broadcast_in_dim3A_12 {strides = array<i32>} : memref<16x128xf32, #tpu.memory_space<vmem>>, vector<16xf32>,
    %swap3A_920 = arith.constant 14 : i32
    %swap3A_921 = arith.index_cast %swap3A_920 : i32 to index
    %swap3A_922 = arith.constant 16 : index
    %swap3A_923 = tpu.vector_load %arg10[%swap3A_921, %swap3A_922] {strides = array<i32>} : memref<16x128xf32, #tpu.memory_space<vmem>>, vector<16xf32>,
    tpu.vector_store %arg10[%swap3A_921, %swap3A_922], %broadcast_in_dim3A_12 {strides = array<i32>} : memref<16x128xf32, #tpu.memory_space<vmem>>, vector<16xf32>,
    %swap3A_924 = arith.constant 14 : i32
    %swap3A_925 = arith.index_cast %swap3A_924 : i32 to index
    %swap3A_926 = arith.constant 32 : index
    %swap3A_927 = tpu.vector_load %arg9[%swap3A_925, %swap3A_926] {strides = array<i32>} : memref<16x128xf32, #tpu.memory_space<vmem>>, vector<16xf32>,
    tpu.vector_store %arg9[%swap3A_925, %swap3A_926], %broadcast_in_dim3A_12 {strides = array<i32>} : memref<16x128xf32, #tpu.memory_space<vmem>>, vector<16xf32>,
    %swap3A_928 = arith.constant 14 : i32
    %swap3A_929 = arith.index_cast %swap3A_928 : i32 to index
    %swap3A_930 = arith.constant 32 : index
    %swap3A_931 = tpu.vector_load %arg10[%swap3A_929, %swap3A_930] {strides = array<i32>} : memref<16x128xf32, #tpu.memory_space<vmem>>, vector<16xf32>,
    tpu.vector_store %arg10[%swap3A_929, %swap3A_930], %broadcast_in_dim3A_12 {strides = array<i32>} : memref<16x128xf32, #tpu.memory_space<vmem>>, vector<16xf32>,
    %swap3A_932 = arith.constant 14 : i32
    %swap3A_933 = arith.index_cast %swap3A_932 : i32 to index
    %swap3A_934 = arith.constant 48 : index
    %swap3A_935 = tpu.vector_load %arg9[%swap3A_933, %swap3A_934] {strides = array<i32>} : memref<16x128xf32, #tpu.memory_space<vmem>>, vector<16xf32>,
    tpu.vector_store %arg9[%swap3A_933, %swap3A_934], %broadcast_in_dim3A_12 {strides = array<i32>} : memref<16x128xf32, #tpu.memory_space<vmem>>, vector<16xf32>,
    %swap3A_936 = arith.constant 14 : i32
    %swap3A_937 = arith.index_cast %swap3A_936 : i32 to index
    %swap3A_938 = arith.constant 48 : index
    %swap3A_939 = tpu.vector_load %arg10[%swap3A_937, %swap3A_938] {strides = array<i32>} : memref<16x128xf32, #tpu.memory_space<vmem>>, vector<16xf32>,
    tpu.vector_store %arg10[%swap3A_937, %swap3A_938], %broadcast_in_dim3A_12 {strides = array<i32>} : memref<16x128xf32, #tpu.memory_space<vmem>>, vector<16xf32>,
    %swap3A_940 = arith.constant 14 : i32
    %swap3A_941 = arith.index_cast %swap3A_940 : i32 to index
    %swap3A_942 = arith.constant 64 : index
    %swap3A_943 = tpu.vector_load %arg9[%swap3A_941, %swap3A_942] {strides = array<i32>} : memref<16x128xf32, #tpu.memory_space<vmem>>, vector<16xf32>,
    tpu.vector_store %arg9[%swap3A_941, %swap3A_942], %broadcast_in_dim3A_12 {strides = array<i32>} : memref<16x128xf32, #tpu.memory_space<vmem>>, vector<16xf32>,
    %swap3A_944 = arith.constant 14 : i32
    %swap3A_945 = arith.index_cast %swap3A_944 : i32 to index
    %swap3A_946 = arith.constant 64 : index
    %swap3A_947 = tpu.vector_load %arg10[%swap3A_945, %swap3A_946] {strides = array<i32>} : memref<16x128xf32, #tpu.memory_space<vmem>>, vector<16xf32>,
    tpu.vector_store %arg10[%swap3A_945, %swap3A_946], %broadcast_in_dim3A_12 {strides = array<i32>} : memref<16x128xf32, #tpu.memory_space<vmem>>, vector<16xf32>,
    %swap3A_948 = arith.constant 14 : i32
    %swap3A_949 = arith.index_cast %swap3A_948 : i32 to index
    %swap3A_950 = arith.constant 80 : index
    %swap3A_951 = tpu.vector_load %arg9[%swap3A_949, %swap3A_950] {strides = array<i32>} : memref<16x128xf32, #tpu.memory_space<vmem>>, vector<16xf32>,
    tpu.vector_store %arg9[%swap3A_949, %swap3A_950], %broadcast_in_dim3A_12 {strides = array<i32>} : memref<16x128xf32, #tpu.memory_space<vmem>>, vector<16xf32>,
    %swap3A_952 = arith.constant 14 : i32
    %swap3A_953 = arith.index_cast %swap3A_952 : i32 to index
    %swap3A_954 = arith.constant 80 : index
    %swap3A_955 = tpu.vector_load %arg10[%swap3A_953, %swap3A_954] {strides = array<i32>} : memref<16x128xf32, #tpu.memory_space<vmem>>, vector<16xf32>,
    tpu.vector_store %arg10[%swap3A_953, %swap3A_954], %broadcast_in_dim3A_12 {strides = array<i32>} : memref<16x128xf32, #tpu.memory_space<vmem>>, vector<16xf32>,
    %swap3A_956 = arith.constant 14 : i32
    %swap3A_957 = arith.index_cast %swap3A_956 : i32 to index
    %swap3A_958 = arith.constant 96 : index
    %swap3A_959 = tpu.vector_load %arg9[%swap3A_957, %swap3A_958] {strides = array<i32>} : memref<16x128xf32, #tpu.memory_space<vmem>>, vector<16xf32>,
    tpu.vector_store %arg9[%swap3A_957, %swap3A_958], %broadcast_in_dim3A_12 {strides = array<i32>} : memref<16x128xf32, #tpu.memory_space<vmem>>, vector<16xf32>,
    %swap3A_960 = arith.constant 14 : i32
    %swap3A_961 = arith.index_cast %swap3A_960 : i32 to index
    %swap3A_962 = arith.constant 96 : index
    %swap3A_963 = tpu.vector_load %arg10[%swap3A_961, %swap3A_962] {strides = array<i32>} : memref<16x128xf32, #tpu.memory_space<vmem>>, vector<16xf32>,
    tpu.vector_store %arg10[%swap3A_961, %swap3A_962], %broadcast_in_dim3A_12 {strides = array<i32>} : memref<16x128xf32, #tpu.memory_space<vmem>>, vector<16xf32>,
    %swap3A_964 = arith.constant 14 : i32
    %swap3A_965 = arith.index_cast %swap3A_964 : i32 to index
    %swap3A_966 = arith.constant 112 : index
    %swap3A_967 = tpu.vector_load %arg9[%swap3A_965, %swap3A_966] {strides = array<i32>} : memref<16x128xf32, #tpu.memory_space<vmem>>, vector<16xf32>,
    tpu.vector_store %arg9[%swap3A_965, %swap3A_966], %broadcast_in_dim3A_12 {strides = array<i32>} : memref<16x128xf32, #tpu.memory_space<vmem>>, vector<16xf32>,
    %swap3A_968 = arith.constant 14 : i32
    %swap3A_969 = arith.index_cast %swap3A_968 : i32 to index
    %swap3A_970 = arith.constant 112 : index
    %swap3A_971 = tpu.vector_load %arg10[%swap3A_969, %swap3A_970] {strides = array<i32>} : memref<16x128xf32, #tpu.memory_space<vmem>>, vector<16xf32>,
    tpu.vector_store %arg10[%swap3A_969, %swap3A_970], %broadcast_in_dim3A_12 {strides = array<i32>} : memref<16x128xf32, #tpu.memory_space<vmem>>, vector<16xf32>,
    %swap3A_972 = arith.constant 15 : i32
    %swap3A_973 = arith.index_cast %swap3A_972 : i32 to index
    %swap3A_974 = arith.constant 0 : index
    %swap3A_975 = tpu.vector_load %arg9[%swap3A_973, %swap3A_974] {strides = array<i32>} : memref<16x128xf32, #tpu.memory_space<vmem>>, vector<16xf32>,
    tpu.vector_store %arg9[%swap3A_973, %swap3A_974], %broadcast_in_dim3A_12 {strides = array<i32>} : memref<16x128xf32, #tpu.memory_space<vmem>>, vector<16xf32>,
    %swap3A_976 = arith.constant 15 : i32
    %swap3A_977 = arith.index_cast %swap3A_976 : i32 to index
    %swap3A_978 = arith.constant 0 : index
    %swap3A_979 = tpu.vector_load %arg10[%swap3A_977, %swap3A_978] {strides = array<i32>} : memref<16x128xf32, #tpu.memory_space<vmem>>, vector<16xf32>,
    tpu.vector_store %arg10[%swap3A_977, %swap3A_978], %broadcast_in_dim3A_12 {strides = array<i32>} : memref<16x128xf32, #tpu.memory_space<vmem>>, vector<16xf32>,
    %swap3A_980 = arith.constant 15 : i32
    %swap3A_981 = arith.index_cast %swap3A_980 : i32 to index
    %swap3A_982 = arith.constant 16 : index
    %swap3A_983 = tpu.vector_load %arg9[%swap3A_981, %swap3A_982] {strides = array<i32>} : memref<16x128xf32, #tpu.memory_space<vmem>>, vector<16xf32>,
    tpu.vector_store %arg9[%swap3A_981, %swap3A_982], %broadcast_in_dim3A_12 {strides = array<i32>} : memref<16x128xf32, #tpu.memory_space<vmem>>, vector<16xf32>,
    %swap3A_984 = arith.constant 15 : i32
    %swap3A_985 = arith.index_cast %swap3A_984 : i32 to index
    %swap3A_986 = arith.constant 16 : index
    %swap3A_987 = tpu.vector_load %arg10[%swap3A_985, %swap3A_986] {strides = array<i32>} : memref<16x128xf32, #tpu.memory_space<vmem>>, vector<16xf32>,
    tpu.vector_store %arg10[%swap3A_985, %swap3A_986], %broadcast_in_dim3A_12 {strides = array<i32>} : memref<16x128xf32, #tpu.memory_space<vmem>>, vector<16xf32>,
    %swap3A_988 = arith.constant 15 : i32
    %swap3A_989 = arith.index_cast %swap3A_988 : i32 to index
    %swap3A_990 = arith.constant 32 : index
    %swap3A_991 = tpu.vector_load %arg9[%swap3A_989, %swap3A_990] {strides = array<i32>} : memref<16x128xf32, #tpu.memory_space<vmem>>, vector<16xf32>,
    tpu.vector_store %arg9[%swap3A_989, %swap3A_990], %broadcast_in_dim3A_12 {strides = array<i32>} : memref<16x128xf32, #tpu.memory_space<vmem>>, vector<16xf32>,
    %swap3A_992 = arith.constant 15 : i32
    %swap3A_993 = arith.index_cast %swap3A_992 : i32 to index
    %swap3A_994 = arith.constant 32 : index
    %swap3A_995 = tpu.vector_load %arg10[%swap3A_993, %swap3A_994] {strides = array<i32>} : memref<16x128xf32, #tpu.memory_space<vmem>>, vector<16xf32>,
    tpu.vector_store %arg10[%swap3A_993, %swap3A_994], %broadcast_in_dim3A_12 {strides = array<i32>} : memref<16x128xf32, #tpu.memory_space<vmem>>, vector<16xf32>,
    %swap3A_996 = arith.constant 15 : i32
    %swap3A_997 = arith.index_cast %swap3A_996 : i32 to index
    %swap3A_998 = arith.constant 48 : index
    %swap3A_999 = tpu.vector_load %arg9[%swap3A_997, %swap3A_998] {strides = array<i32>} : memref<16x128xf32, #tpu.memory_space<vmem>>, vector<16xf32>,
    tpu.vector_store %arg9[%swap3A_997, %swap3A_998], %broadcast_in_dim3A_12 {strides = array<i32>} : memref<16x128xf32, #tpu.memory_space<vmem>>, vector<16xf32>,
    %swap3A_1000 = arith.constant 15 : i32
    %swap3A_1001 = arith.index_cast %swap3A_1000 : i32 to index
    %swap3A_1002 = arith.constant 48 : index
    %swap3A_1003 = tpu.vector_load %arg10[%swap3A_1001, %swap3A_1002] {strides = array<i32>} : memref<16x128xf32, #tpu.memory_space<vmem>>, vector<16xf32>,
    tpu.vector_store %arg10[%swap3A_1001, %swap3A_1002], %broadcast_in_dim3A_12 {strides = array<i32>} : memref<16x128xf32, #tpu.memory_space<vmem>>, vector<16xf32>,
    %swap3A_1004 = arith.constant 15 : i32
    %swap3A_1005 = arith.index_cast %swap3A_1004 : i32 to index
    %swap3A_1006 = arith.constant 64 : index
    %swap3A_1007 = tpu.vector_load %arg9[%swap3A_1005, %swap3A_1006] {strides = array<i32>} : memref<16x128xf32, #tpu.memory_space<vmem>>, vector<16xf32>,
    tpu.vector_store %arg9[%swap3A_1005, %swap3A_1006], %broadcast_in_dim3A_12 {strides = array<i32>} : memref<16x128xf32, #tpu.memory_space<vmem>>, vector<16xf32>,
    %swap3A_1008 = arith.constant 15 : i32
    %swap3A_1009 = arith.index_cast %swap3A_1008 : i32 to index
    %swap3A_1010 = arith.constant 64 : index
    %swap3A_1011 = tpu.vector_load %arg10[%swap3A_1009, %swap3A_1010] {strides = array<i32>} : memref<16x128xf32, #tpu.memory_space<vmem>>, vector<16xf32>,
    tpu.vector_store %arg10[%swap3A_1009, %swap3A_1010], %broadcast_in_dim3A_12 {strides = array<i32>} : memref<16x128xf32, #tpu.memory_space<vmem>>, vector<16xf32>,
    %swap3A_1012 = arith.constant 15 : i32
    %swap3A_1013 = arith.index_cast %swap3A_1012 : i32 to index
    %swap3A_1014 = arith.constant 80 : index
    %swap3A_1015 = tpu.vector_load %arg9[%swap3A_1013, %swap3A_1014] {strides = array<i32>} : memref<16x128xf32, #tpu.memory_space<vmem>>, vector<16xf32>,
    tpu.vector_store %arg9[%swap3A_1013, %swap3A_1014], %broadcast_in_dim3A_12 {strides = array<i32>} : memref<16x128xf32, #tpu.memory_space<vmem>>, vector<16xf32>,
    %swap3A_1016 = arith.constant 15 : i32
    %swap3A_1017 = arith.index_cast %swap3A_1016 : i32 to index
    %swap3A_1018 = arith.constant 80 : index
    %swap3A_1019 = tpu.vector_load %arg10[%swap3A_1017, %swap3A_1018] {strides = array<i32>} : memref<16x128xf32, #tpu.memory_space<vmem>>, vector<16xf32>,
    tpu.vector_store %arg10[%swap3A_1017, %swap3A_1018], %broadcast_in_dim3A_12 {strides = array<i32>} : memref<16x128xf32, #tpu.memory_space<vmem>>, vector<16xf32>,
    %swap3A_1020 = arith.constant 15 : i32
    %swap3A_1021 = arith.index_cast %swap3A_1020 : i32 to index
    %swap3A_1022 = arith.constant 96 : index
    %swap3A_1023 = tpu.vector_load %arg9[%swap3A_1021, %swap3A_1022] {strides = array<i32>} : memref<16x128xf32, #tpu.memory_space<vmem>>, vector<16xf32>,
    tpu.vector_store %arg9[%swap3A_1021, %swap3A_1022], %broadcast_in_dim3A_12 {strides = array<i32>} : memref<16x128xf32, #tpu.memory_space<vmem>>, vector<16xf32>,
    %swap3A_1024 = arith.constant 15 : i32
    %swap3A_1025 = arith.index_cast %swap3A_1024 : i32 to index
    %swap3A_1026 = arith.constant 96 : index
    %swap3A_1027 = tpu.vector_load %arg10[%swap3A_1025, %swap3A_1026] {strides = array<i32>} : memref<16x128xf32, #tpu.memory_space<vmem>>, vector<16xf32>,
    tpu.vector_store %arg10[%swap3A_1025, %swap3A_1026], %broadcast_in_dim3A_12 {strides = array<i32>} : memref<16x128xf32, #tpu.memory_space<vmem>>, vector<16xf32>,
    %swap3A_1028 = arith.constant 15 : i32
    %swap3A_1029 = arith.index_cast %swap3A_1028 : i32 to index
    %swap3A_1030 = arith.constant 112 : index
    %swap3A_1031 = tpu.vector_load %arg9[%swap3A_1029, %swap3A_1030] {strides = array<i32>} : memref<16x128xf32, #tpu.memory_space<vmem>>, vector<16xf32>,
    tpu.vector_store %arg9[%swap3A_1029, %swap3A_1030], %broadcast_in_dim3A_12 {strides = array<i32>} : memref<16x128xf32, #tpu.memory_space<vmem>>, vector<16xf32>,
    %swap3A_1032 = arith.constant 15 : i32
    %swap3A_1033 = arith.index_cast %swap3A_1032 : i32 to index
    %swap3A_1034 = arith.constant 112 : index
    %swap3A_1035 = tpu.vector_load %arg10[%swap3A_1033, %swap3A_1034] {strides = array<i32>} : memref<16x128xf32, #tpu.memory_space<vmem>>, vector<16xf32>,
    tpu.vector_store %arg10[%swap3A_1033, %swap3A_1034], %broadcast_in_dim3A_12 {strides = array<i32>} : memref<16x128xf32, #tpu.memory_space<vmem>>, vector<16xf32>,
    %broadcast_in_dim3A_1036 = arith.constant 1.000000e+00 : f32
    %broadcast_in_dim3A_1037 = vector.broadcast %broadcast_in_dim3A_1036 : f32 to vector<16xf32>
    %scan3A = arith.constant 0 : i32
    %scan3A_1038 = arith.constant 0 : i32
    %scan3A_1039 = arith.constant 72 : i32
    %scan3A_1040 = arith.addi %scan3A_1038, %scan3A_1039 : i32
    %scan3A_1041 = arith.constant 8 : i32
    scf.for %scan3A_1078 = %scan3A_1038 to %scan3A_1040 step %scan3A_1041  : i32 {
      %mul3A_1079 = arith.constant 16 : i32
      %mul3A_1080 = arith.muli %scan3A_1078, %mul3A_1079 : i32
      %get3A = arith.index_cast %mul3A_1080 : i32 to index
      %get3A_1081 = tpu.vector_load %arg6[%get3A] {strides = array<i32>} : memref<1152xi32, #tpu.memory_space<vmem>>, vector<16xi32>,
      %shift_right_arithmetic3A = arith.constant 7 : i32
      %shift_right_arithmetic3A_1082 = vector.broadcast %shift_right_arithmetic3A : i32 to vector<16xi32>
      %shift_right_arithmetic3A_1083 = arith.shrsi %get3A_1081, %shift_right_arithmetic3A_1082 : vector<16xi32>
      %and3A = arith.constant 127 : i32
      %and3A_1084 = vector.broadcast %and3A : i32 to vector<16xi32>
      %and3A_1085 = arith.andi %get3A_1081, %and3A_1084 : vector<16xi32>
      tpu.vector_store_idx %arg9[%shift_right_arithmetic3A_1083, %and3A_1085], %broadcast_in_dim3A_1037 {add = true} : memref<16x128xf32, #tpu.memory_space<vmem>>[vector<16xi32>, vector<16xi32>], vector<16xf32>,
      %scan3A_1086 = arith.constant 1 : i32
      %scan3A_1087 = arith.addi %scan3A_1078, %scan3A_1086 : i32
      %mul3A_1088 = arith.constant 16 : i32
      %mul3A_1089 = arith.muli %scan3A_1087, %mul3A_1088 : i32
      %get3A_1090 = arith.index_cast %mul3A_1089 : i32 to index
      %get3A_1091 = tpu.vector_load %arg6[%get3A_1090] {strides = array<i32>} : memref<1152xi32, #tpu.memory_space<vmem>>, vector<16xi32>,
      %shift_right_arithmetic3A_1092 = arith.constant 7 : i32
      %shift_right_arithmetic3A_1093 = vector.broadcast %shift_right_arithmetic3A_1092 : i32 to vector<16xi32>
      %shift_right_arithmetic3A_1094 = arith.shrsi %get3A_1091, %shift_right_arithmetic3A_1093 : vector<16xi32>
      %and3A_1095 = arith.constant 127 : i32
      %and3A_1096 = vector.broadcast %and3A_1095 : i32 to vector<16xi32>
      %and3A_1097 = arith.andi %get3A_1091, %and3A_1096 : vector<16xi32>
      tpu.vector_store_idx %arg9[%shift_right_arithmetic3A_1094, %and3A_1097], %broadcast_in_dim3A_1037 {add = true} : memref<16x128xf32, #tpu.memory_space<vmem>>[vector<16xi32>, vector<16xi32>], vector<16xf32>,
      %scan3A_1098 = arith.constant 2 : i32
      %scan3A_1099 = arith.addi %scan3A_1078, %scan3A_1098 : i32
      %mul3A_1100 = arith.constant 16 : i32
      %mul3A_1101 = arith.muli %scan3A_1099, %mul3A_1100 : i32
      %get3A_1102 = arith.index_cast %mul3A_1101 : i32 to index
      %get3A_1103 = tpu.vector_load %arg6[%get3A_1102] {strides = array<i32>} : memref<1152xi32, #tpu.memory_space<vmem>>, vector<16xi32>,
      %shift_right_arithmetic3A_1104 = arith.constant 7 : i32
      %shift_right_arithmetic3A_1105 = vector.broadcast %shift_right_arithmetic3A_1104 : i32 to vector<16xi32>
      %shift_right_arithmetic3A_1106 = arith.shrsi %get3A_1103, %shift_right_arithmetic3A_1105 : vector<16xi32>
      %and3A_1107 = arith.constant 127 : i32
      %and3A_1108 = vector.broadcast %and3A_1107 : i32 to vector<16xi32>
      %and3A_1109 = arith.andi %get3A_1103, %and3A_1108 : vector<16xi32>
      tpu.vector_store_idx %arg9[%shift_right_arithmetic3A_1106, %and3A_1109], %broadcast_in_dim3A_1037 {add = true} : memref<16x128xf32, #tpu.memory_space<vmem>>[vector<16xi32>, vector<16xi32>], vector<16xf32>,
      %scan3A_1110 = arith.constant 3 : i32
      %scan3A_1111 = arith.addi %scan3A_1078, %scan3A_1110 : i32
      %mul3A_1112 = arith.constant 16 : i32
      %mul3A_1113 = arith.muli %scan3A_1111, %mul3A_1112 : i32
      %get3A_1114 = arith.index_cast %mul3A_1113 : i32 to index
      %get3A_1115 = tpu.vector_load %arg6[%get3A_1114] {strides = array<i32>} : memref<1152xi32, #tpu.memory_space<vmem>>, vector<16xi32>,
      %shift_right_arithmetic3A_1116 = arith.constant 7 : i32
      %shift_right_arithmetic3A_1117 = vector.broadcast %shift_right_arithmetic3A_1116 : i32 to vector<16xi32>
      %shift_right_arithmetic3A_1118 = arith.shrsi %get3A_1115, %shift_right_arithmetic3A_1117 : vector<16xi32>
      %and3A_1119 = arith.constant 127 : i32
      %and3A_1120 = vector.broadcast %and3A_1119 : i32 to vector<16xi32>
      %and3A_1121 = arith.andi %get3A_1115, %and3A_1120 : vector<16xi32>
      tpu.vector_store_idx %arg9[%shift_right_arithmetic3A_1118, %and3A_1121], %broadcast_in_dim3A_1037 {add = true} : memref<16x128xf32, #tpu.memory_space<vmem>>[vector<16xi32>, vector<16xi32>], vector<16xf32>,
      %scan3A_1122 = arith.constant 4 : i32
      %scan3A_1123 = arith.addi %scan3A_1078, %scan3A_1122 : i32
      %mul3A_1124 = arith.constant 16 : i32
      %mul3A_1125 = arith.muli %scan3A_1123, %mul3A_1124 : i32
      %get3A_1126 = arith.index_cast %mul3A_1125 : i32 to index
      %get3A_1127 = tpu.vector_load %arg6[%get3A_1126] {strides = array<i32>} : memref<1152xi32, #tpu.memory_space<vmem>>, vector<16xi32>,
      %shift_right_arithmetic3A_1128 = arith.constant 7 : i32
      %shift_right_arithmetic3A_1129 = vector.broadcast %shift_right_arithmetic3A_1128 : i32 to vector<16xi32>
      %shift_right_arithmetic3A_1130 = arith.shrsi %get3A_1127, %shift_right_arithmetic3A_1129 : vector<16xi32>
      %and3A_1131 = arith.constant 127 : i32
      %and3A_1132 = vector.broadcast %and3A_1131 : i32 to vector<16xi32>
      %and3A_1133 = arith.andi %get3A_1127, %and3A_1132 : vector<16xi32>
      tpu.vector_store_idx %arg9[%shift_right_arithmetic3A_1130, %and3A_1133], %broadcast_in_dim3A_1037 {add = true} : memref<16x128xf32, #tpu.memory_space<vmem>>[vector<16xi32>, vector<16xi32>], vector<16xf32>,
      %scan3A_1134 = arith.constant 5 : i32
      %scan3A_1135 = arith.addi %scan3A_1078, %scan3A_1134 : i32
      %mul3A_1136 = arith.constant 16 : i32
      %mul3A_1137 = arith.muli %scan3A_1135, %mul3A_1136 : i32
      %get3A_1138 = arith.index_cast %mul3A_1137 : i32 to index
      %get3A_1139 = tpu.vector_load %arg6[%get3A_1138] {strides = array<i32>} : memref<1152xi32, #tpu.memory_space<vmem>>, vector<16xi32>,
      %shift_right_arithmetic3A_1140 = arith.constant 7 : i32
      %shift_right_arithmetic3A_1141 = vector.broadcast %shift_right_arithmetic3A_1140 : i32 to vector<16xi32>
      %shift_right_arithmetic3A_1142 = arith.shrsi %get3A_1139, %shift_right_arithmetic3A_1141 : vector<16xi32>
      %and3A_1143 = arith.constant 127 : i32
      %and3A_1144 = vector.broadcast %and3A_1143 : i32 to vector<16xi32>
      %and3A_1145 = arith.andi %get3A_1139, %and3A_1144 : vector<16xi32>
      tpu.vector_store_idx %arg9[%shift_right_arithmetic3A_1142, %and3A_1145], %broadcast_in_dim3A_1037 {add = true} : memref<16x128xf32, #tpu.memory_space<vmem>>[vector<16xi32>, vector<16xi32>], vector<16xf32>,
      %scan3A_1146 = arith.constant 6 : i32
      %scan3A_1147 = arith.addi %scan3A_1078, %scan3A_1146 : i32
      %mul3A_1148 = arith.constant 16 : i32
      %mul3A_1149 = arith.muli %scan3A_1147, %mul3A_1148 : i32
      %get3A_1150 = arith.index_cast %mul3A_1149 : i32 to index
      %get3A_1151 = tpu.vector_load %arg6[%get3A_1150] {strides = array<i32>} : memref<1152xi32, #tpu.memory_space<vmem>>, vector<16xi32>,
      %shift_right_arithmetic3A_1152 = arith.constant 7 : i32
      %shift_right_arithmetic3A_1153 = vector.broadcast %shift_right_arithmetic3A_1152 : i32 to vector<16xi32>
      %shift_right_arithmetic3A_1154 = arith.shrsi %get3A_1151, %shift_right_arithmetic3A_1153 : vector<16xi32>
      %and3A_1155 = arith.constant 127 : i32
      %and3A_1156 = vector.broadcast %and3A_1155 : i32 to vector<16xi32>
      %and3A_1157 = arith.andi %get3A_1151, %and3A_1156 : vector<16xi32>
      tpu.vector_store_idx %arg9[%shift_right_arithmetic3A_1154, %and3A_1157], %broadcast_in_dim3A_1037 {add = true} : memref<16x128xf32, #tpu.memory_space<vmem>>[vector<16xi32>, vector<16xi32>], vector<16xf32>,
      %scan3A_1158 = arith.constant 7 : i32
      %scan3A_1159 = arith.addi %scan3A_1078, %scan3A_1158 : i32
      %mul3A_1160 = arith.constant 16 : i32
      %mul3A_1161 = arith.muli %scan3A_1159, %mul3A_1160 : i32
      %get3A_1162 = arith.index_cast %mul3A_1161 : i32 to index
      %get3A_1163 = tpu.vector_load %arg6[%get3A_1162] {strides = array<i32>} : memref<1152xi32, #tpu.memory_space<vmem>>, vector<16xi32>,
      %shift_right_arithmetic3A_1164 = arith.constant 7 : i32
      %shift_right_arithmetic3A_1165 = vector.broadcast %shift_right_arithmetic3A_1164 : i32 to vector<16xi32>
      %shift_right_arithmetic3A_1166 = arith.shrsi %get3A_1163, %shift_right_arithmetic3A_1165 : vector<16xi32>
      %and3A_1167 = arith.constant 127 : i32
      %and3A_1168 = vector.broadcast %and3A_1167 : i32 to vector<16xi32>
      %and3A_1169 = arith.andi %get3A_1163, %and3A_1168 : vector<16xi32>
      tpu.vector_store_idx %arg9[%shift_right_arithmetic3A_1166, %and3A_1169], %broadcast_in_dim3A_1037 {add = true} : memref<16x128xf32, #tpu.memory_space<vmem>>[vector<16xi32>, vector<16xi32>], vector<16xf32>,
    }
    %scan3A_1042 = arith.constant 72 : i32
    %iota3A = tpu.iota {dimensions = array<i32: 0>} : vector<16xi32>
    %eq3A = arith.constant 0 : i32
    %eq3A_1043 = arith.cmpi eq, %arg1, %eq3A : i32
    %convert_element_type3A = arith.extui %eq3A_1043 : i1 to i32
    %cond3A = arith.constant 0 : i32
    %cond3A_1044 = arith.cmpi ne, %convert_element_type3A, %cond3A : i32
    scf.if %cond3A_1044 {
      "tpu.region"() ({
        %run_scoped3A = tpu.sem_alloc : memref<!tpu.dma_semaphore, #tpu.memory_space<semaphore_mem>>
        tpu.enqueue_dma source(%arg10 : memref<16x128xf32, #tpu.memory_space<vmem>>) target(%arg11 : memref<16x128xf32, #tpu.memory_space<vmem_shared>>) target_semaphore(%run_scoped3A : memref<!tpu.dma_semaphore, #tpu.memory_space<semaphore_mem>>)
        tpu.wait_dma2 semaphore(%run_scoped3A : memref<!tpu.dma_semaphore, #tpu.memory_space<semaphore_mem>>) src(%arg10 : memref<16x128xf32, #tpu.memory_space<vmem>>) dst(%arg11 : memref<16x128xf32, #tpu.memory_space<vmem_shared>>)
        tpu.yield
      }) : () -> ()
    } else {
    }
    %barrier3A = arith.constant 0 : index
    tpu.barrier barrier_id(%barrier3A)
    "tpu.region"() ({
      %run_scoped3A = tpu.sem_alloc : memref<!tpu.dma_semaphore, #tpu.memory_space<semaphore_mem>>
      %dma_start3A_1078 = arith.constant 0 : i32
      %dma_start3A_1079 = arith.constant 0 : i32
      %dma_start3A_1080 = tpu.memref_slice %arg11[%dma_start3A_1078, %dma_start3A_1079] : memref<16x128xf32, #tpu.memory_space<vmem_shared>> -> memref<16x128xf32, #tpu.memory_space<vmem_shared>>
      tpu.enqueue_indirect_dma source(%arg9 : memref<16x128xf32, #tpu.memory_space<vmem>>) target(%dma_start3A_1080 : memref<16x128xf32, #tpu.memory_space<vmem_shared>>) offsets(%iota3A : vector<16xi32>) semaphore(%run_scoped3A : memref<!tpu.dma_semaphore, #tpu.memory_space<semaphore_mem>>) {add = true}
      %dma_wait3A_1081 = arith.constant 0 : i32
      %dma_wait3A_1082 = arith.constant 0 : i32
      %dma_wait3A_1083 = tpu.memref_slice %arg11[%dma_wait3A_1081, %dma_wait3A_1082] : memref<16x128xf32, #tpu.memory_space<vmem_shared>> -> memref<16x128xf32, #tpu.memory_space<vmem_shared>>
      tpu.wait_indirect_dma semaphore(%run_scoped3A : memref<!tpu.dma_semaphore, #tpu.memory_space<semaphore_mem>>) src(%arg9 : memref<16x128xf32, #tpu.memory_space<vmem>>) dst(%dma_wait3A_1083 : memref<16x128xf32, #tpu.memory_space<vmem_shared>>)
      tpu.yield
    }) : () -> ()
    %barrier3A_1045 = arith.constant 0 : index
    tpu.barrier barrier_id(%barrier3A_1045)
    %eq3A_1046 = arith.constant 0 : i32
    %eq3A_1047 = arith.cmpi eq, %arg1, %eq3A_1046 : i32
    %convert_element_type3A_1048 = arith.extui %eq3A_1047 : i1 to i32
    %cond3A_1049 = arith.constant 0 : i32
    %cond3A_1050 = arith.cmpi ne, %convert_element_type3A_1048, %cond3A_1049 : i32
    scf.if %cond3A_1050 {
      "tpu.region"() ({
        %run_scoped3A = tpu.sem_alloc : memref<!tpu.dma_semaphore, #tpu.memory_space<semaphore_mem>>
        tpu.enqueue_dma source(%arg11 : memref<16x128xf32, #tpu.memory_space<vmem_shared>>) target(%arg9 : memref<16x128xf32, #tpu.memory_space<vmem>>) target_semaphore(%run_scoped3A : memref<!tpu.dma_semaphore, #tpu.memory_space<semaphore_mem>>)
        tpu.wait_dma2 semaphore(%run_scoped3A : memref<!tpu.dma_semaphore, #tpu.memory_space<semaphore_mem>>) src(%arg11 : memref<16x128xf32, #tpu.memory_space<vmem_shared>>) dst(%arg9 : memref<16x128xf32, #tpu.memory_space<vmem>>)
        tpu.yield
      }) : () -> ()
      "tpu.region"() ({
        %run_scoped3A = tpu.sem_alloc : memref<!tpu.dma_semaphore, #tpu.memory_space<semaphore_mem>>
        %dma_start3A_1078 = arith.constant 0 : i32
        %dma_start3A_1079 = arith.constant 0 : i32
        %dma_start3A_1080 = tpu.memref_slice %arg5[%arg0, %dma_start3A_1078, %dma_start3A_1079] : memref<2x16x128xf32, #tpu.memory_space<hbm>> -> memref<1x16x128xf32, #tpu.memory_space<hbm>>
        %dma_start3A_1081 = tpu.memref_squeeze %dma_start3A_1080 : memref<1x16x128xf32, #tpu.memory_space<hbm>> -> memref<16x128xf32, #tpu.memory_space<hbm>>
        %dma_start3A_1082 = arith.constant 0 : i32
        %dma_start3A_1083 = arith.constant 0 : i32
        %dma_start3A_1084 = tpu.memref_slice %arg5[%arg0, %dma_start3A_1082, %dma_start3A_1083] : memref<2x16x128xf32, #tpu.memory_space<hbm>> -> memref<1x16x128xf32, #tpu.memory_space<hbm>>
        %dma_start3A_1085 = tpu.memref_squeeze %dma_start3A_1084 : memref<1x16x128xf32, #tpu.memory_space<hbm>> -> memref<16x128xf32, #tpu.memory_space<hbm>>
        tpu.enqueue_dma source(%arg9 : memref<16x128xf32, #tpu.memory_space<vmem>>) target(%dma_start3A_1085 : memref<16x128xf32, #tpu.memory_space<hbm>>) target_semaphore(%run_scoped3A : memref<!tpu.dma_semaphore, #tpu.memory_space<semaphore_mem>>)
        %dma_wait3A_1086 = arith.constant 0 : i32
        %dma_wait3A_1087 = arith.constant 0 : i32
        %dma_wait3A_1088 = tpu.memref_slice %arg5[%arg0, %dma_wait3A_1086, %dma_wait3A_1087] : memref<2x16x128xf32, #tpu.memory_space<hbm>> -> memref<1x16x128xf32, #tpu.memory_space<hbm>>
        %dma_wait3A_1089 = tpu.memref_squeeze %dma_wait3A_1088 : memref<1x16x128xf32, #tpu.memory_space<hbm>> -> memref<16x128xf32, #tpu.memory_space<hbm>>
        %dma_wait3A_1090 = arith.constant 0 : i32
        %dma_wait3A_1091 = arith.constant 0 : i32
        %dma_wait3A_1092 = tpu.memref_slice %arg5[%arg0, %dma_wait3A_1090, %dma_wait3A_1091] : memref<2x16x128xf32, #tpu.memory_space<hbm>> -> memref<1x16x128xf32, #tpu.memory_space<hbm>>
        %dma_wait3A_1093 = tpu.memref_squeeze %dma_wait3A_1092 : memref<1x16x128xf32, #tpu.memory_space<hbm>> -> memref<16x128xf32, #tpu.memory_space<hbm>>
        tpu.wait_dma2 semaphore(%run_scoped3A : memref<!tpu.dma_semaphore, #tpu.memory_space<semaphore_mem>>) src(%arg9 : memref<16x128xf32, #tpu.memory_space<vmem>>) dst(%dma_wait3A_1093 : memref<16x128xf32, #tpu.memory_space<hbm>>)
        tpu.yield
      }) : () -> ()
    } else {
    }
    %dma_wait3A = arith.constant 0 : i32
    %dma_wait3A_1051 = tpu.memref_slice %arg6[%dma_wait3A] : memref<1152xi32, #tpu.memory_space<vmem>> -> memref<576xi32, #tpu.memory_space<vmem>>
    %dma_wait3A_1052 = arith.constant 0 : i32
    %dma_wait3A_1053 = arith.constant 0 : i32
    %dma_wait3A_1054 = tpu.memref_slice %arg2[%dma_wait3A_1052, %dma_wait3A_1053] : memref<1024x64xf32, #tpu.memory_space<hbm>> -> memref<1024x64xf32, #tpu.memory_space<hbm>>
    tpu.wait_indirect_dma semaphore(%arg12 : memref<!tpu.dma_semaphore, #tpu.memory_space<semaphore_mem>>) src(%dma_wait3A_1054 : memref<1024x64xf32, #tpu.memory_space<hbm>>) dst(%arg7 : memref<576x64xf32, #tpu.memory_space<vmem>>)
    %dma_start3A_1055 = arith.constant 0 : i32
    %dma_start3A_1056 = tpu.memref_slice %arg4[%mul3A_2, %dma_start3A_1055] : memref<36864x64xf32, #tpu.memory_space<hbm>> -> memref<576x64xf32, #tpu.memory_space<hbm>>
    %dma_start3A_1057 = arith.constant 0 : i32
    %dma_start3A_1058 = tpu.memref_slice %arg4[%mul3A_2, %dma_start3A_1057] : memref<36864x64xf32, #tpu.memory_space<hbm>> -> memref<576x64xf32, #tpu.memory_space<hbm>>
    tpu.enqueue_dma source(%arg7 : memref<576x64xf32, #tpu.memory_space<vmem>>) target(%dma_start3A_1058 : memref<576x64xf32, #tpu.memory_space<hbm>>) target_semaphore(%arg14 : memref<!tpu.dma_semaphore, #tpu.memory_space<semaphore_mem>>)
    %dma_wait3A_1059 = arith.constant 576 : i32
    %dma_wait3A_1060 = tpu.memref_slice %arg6[%dma_wait3A_1059] : memref<1152xi32, #tpu.memory_space<vmem>> -> memref<576xi32, #tpu.memory_space<vmem>>
    %dma_wait3A_1061 = arith.constant 0 : i32
    %dma_wait3A_1062 = arith.constant 0 : i32
    %dma_wait3A_1063 = tpu.memref_slice %arg2[%dma_wait3A_1061, %dma_wait3A_1062] : memref<1024x64xf32, #tpu.memory_space<hbm>> -> memref<1024x64xf32, #tpu.memory_space<hbm>>
    tpu.wait_indirect_dma semaphore(%arg13 : memref<!tpu.dma_semaphore, #tpu.memory_space<semaphore_mem>>) src(%dma_wait3A_1063 : memref<1024x64xf32, #tpu.memory_space<hbm>>) dst(%arg8 : memref<576x64xf32, #tpu.memory_space<vmem>>)
    %add3A_1064 = arith.constant 576 : i32
    %add3A_1065 = arith.addi %mul3A_2, %add3A_1064 : i32
    %dma_start3A_1066 = arith.constant 0 : i32
    %dma_start3A_1067 = tpu.memref_slice %arg4[%add3A_1065, %dma_start3A_1066] : memref<36864x64xf32, #tpu.memory_space<hbm>> -> memref<576x64xf32, #tpu.memory_space<hbm>>
    %dma_start3A_1068 = arith.constant 0 : i32
    %dma_start3A_1069 = tpu.memref_slice %arg4[%add3A_1065, %dma_start3A_1068] : memref<36864x64xf32, #tpu.memory_space<hbm>> -> memref<576x64xf32, #tpu.memory_space<hbm>>
    tpu.enqueue_dma source(%arg8 : memref<576x64xf32, #tpu.memory_space<vmem>>) target(%dma_start3A_1069 : memref<576x64xf32, #tpu.memory_space<hbm>>) target_semaphore(%arg14 : memref<!tpu.dma_semaphore, #tpu.memory_space<semaphore_mem>>)
    %dma_wait3A_1070 = arith.constant 0 : i32
    %dma_wait3A_1071 = tpu.memref_slice %arg4[%mul3A_2, %dma_wait3A_1070] : memref<36864x64xf32, #tpu.memory_space<hbm>> -> memref<576x64xf32, #tpu.memory_space<hbm>>
    %dma_wait3A_1072 = arith.constant 0 : i32
    %dma_wait3A_1073 = tpu.memref_slice %arg4[%mul3A_2, %dma_wait3A_1072] : memref<36864x64xf32, #tpu.memory_space<hbm>> -> memref<576x64xf32, #tpu.memory_space<hbm>>
    tpu.wait_dma2 semaphore(%arg14 : memref<!tpu.dma_semaphore, #tpu.memory_space<semaphore_mem>>) src(%arg7 : memref<576x64xf32, #tpu.memory_space<vmem>>) dst(%dma_wait3A_1073 : memref<576x64xf32, #tpu.memory_space<hbm>>)
    %dma_wait3A_1074 = arith.constant 0 : i32
    %dma_wait3A_1075 = tpu.memref_slice %arg4[%add3A_1065, %dma_wait3A_1074] : memref<36864x64xf32, #tpu.memory_space<hbm>> -> memref<576x64xf32, #tpu.memory_space<hbm>>
    %dma_wait3A_1076 = arith.constant 0 : i32
    %dma_wait3A_1077 = tpu.memref_slice %arg4[%add3A_1065, %dma_wait3A_1076] : memref<36864x64xf32, #tpu.memory_space<hbm>> -> memref<576x64xf32, #tpu.memory_space<hbm>>
    tpu.wait_dma2 semaphore(%arg14 : memref<!tpu.dma_semaphore, #tpu.memory_space<semaphore_mem>>) src(%arg8 : memref<576x64xf32, #tpu.memory_space<vmem>>) dst(%dma_wait3A_1077 : memref<576x64xf32, #tpu.memory_space<hbm>>)
    return
  }
}

module attributes {stable_mosaic.version = 14 : i64} {
  func.func @_vq_block(%arg0: i32, %arg1: memref<512x64xf32, #tpu.memory_space<vmem>>, %arg2: memref<1024x64xf32, #tpu.memory_space<vmem>>, %arg3: memref<512xi32, #tpu.memory_space<vmem>>, %arg4: memref<1x1xf32, #tpu.memory_space<vmem>>, %arg5: memref<1x1024xf32, #tpu.memory_space<vmem>>, %arg6: memref<1x1024xf32, #tpu.memory_space<vmem>>, %arg7: memref<1xf32, #tpu.memory_space<smem>>) attributes {dimension_semantics = [#tpu.dimension_semantics<arbitrary>], iteration_bounds = array<i64: 72>, scalar_prefetch = 0 : i64, scratch_operands = 3 : i64, tpu.core_type = #tpu.core_type<tc>, window_params = [{transform_indices = @transform_0, window_bounds = array<i64: 512, 64>}, {pipeline_mode = #tpu.pipeline_mode<synchronous>, transform_indices = @transform_1, window_bounds = array<i64: 1024, 64>}, {transform_indices = @transform_2, window_bounds = array<i64: 512>}, {pipeline_mode = #tpu.pipeline_mode<synchronous>, transform_indices = @transform_3, window_bounds = array<i64: 1, 1>}]} {
    %eq3A = arith.constant 0 : i32
    %eq3A_0 = arith.cmpi eq, %arg0, %eq3A : i32
    %convert_element_type3A = arith.extui %eq3A_0 : i1 to i32
    %cond3A = arith.constant 0 : i32
    %cond3A_1 = arith.cmpi ne, %convert_element_type3A, %cond3A : i32
    scf.if %cond3A_1 {
      %swap3A_46 = arith.constant 0.000000e+00 : f32
      %swap3A_47 = arith.constant 0 : index
      %swap3A_48 = memref.load %arg7[%swap3A_47] : memref<1xf32, #tpu.memory_space<smem>>
      memref.store %swap3A_46, %arg7[%swap3A_47] : memref<1xf32, #tpu.memory_space<smem>>
      %get3A_49 = arith.constant 0 : index
      %get3A_50 = arith.constant 0 : index
      %get3A_51 = vector.load %arg2[%get3A_49, %get3A_50] : memref<1024x64xf32, #tpu.memory_space<vmem>>, vector<1024x64xf32>
      %mul3A_52 = arith.mulf %get3A_51, %get3A_51 : vector<1024x64xf32>
      %reduce_sum3A_53 = arith.constant dense<0.000000e+00> : vector<1024xf32>
      %reduce_sum3A_54 = vector.multi_reduction <add>, %mul3A_52, %reduce_sum3A_53 [1] : vector<1024x64xf32> to vector<1024xf32>
      %broadcast_in_dim3A_55 = vector.shape_cast %reduce_sum3A_54 : vector<1024xf32> to vector<1x1024xf32>
      %swap3A_56 = arith.constant 0 : index
      %swap3A_57 = arith.constant 0 : index
      %swap3A_58 = vector.load %arg5[%swap3A_56, %swap3A_57] : memref<1x1024xf32, #tpu.memory_space<vmem>>, vector<1x1024xf32>
      tpu.vector_store %arg5[%swap3A_56, %swap3A_57], %broadcast_in_dim3A_55 {strides = array<i32>} : memref<1x1024xf32, #tpu.memory_space<vmem>>, vector<1x1024xf32>,
      %iota3A = tpu.iota {dimensions = array<i32: 1>} : vector<1x1024xi32>
      %convert_element_type3A_59 = arith.sitofp %iota3A : vector<1x1024xi32> to vector<1x1024xf32>
      %swap3A_60 = arith.constant 0 : index
      %swap3A_61 = arith.constant 0 : index
      %swap3A_62 = vector.load %arg6[%swap3A_60, %swap3A_61] : memref<1x1024xf32, #tpu.memory_space<vmem>>, vector<1x1024xf32>
      tpu.vector_store %arg6[%swap3A_60, %swap3A_61], %convert_element_type3A_59 {strides = array<i32>} : memref<1x1024xf32, #tpu.memory_space<vmem>>, vector<1x1024xf32>,
    } else {
    }
    %get3A = arith.constant 0 : index
    %get3A_2 = arith.constant 0 : index
    %get3A_3 = vector.load %arg1[%get3A, %get3A_2] : memref<512x64xf32, #tpu.memory_space<vmem>>, vector<512x64xf32>
    %mul3A = arith.mulf %get3A_3, %get3A_3 : vector<512x64xf32>
    %reduce_sum3A = arith.constant dense<0.000000e+00> : vector<512xf32>
    %reduce_sum3A_4 = vector.multi_reduction <add>, %mul3A, %reduce_sum3A [1] : vector<512x64xf32> to vector<512xf32>
    %broadcast_in_dim3A = vector.shape_cast %reduce_sum3A_4 : vector<512xf32> to vector<512x1xf32>
    %get3A_5 = arith.constant 0 : index
    %get3A_6 = arith.constant 0 : index
    %get3A_7 = vector.load %arg2[%get3A_5, %get3A_6] : memref<1024x64xf32, #tpu.memory_space<vmem>>, vector<1024x64xf32>
    %dot_general3A = arith.constant dense<0.000000e+00> : vector<512x1024xf32>
    %dot_general3A_8 = tpu.matmul %get3A_3, %get3A_7, %dot_general3A {dimension_numbers = #tpu.dot_dimension_numbers<[1], [1], [0], [0], [0, 0, 1, 0], [], []>, transpose_lhs_hint = false} : vector<512x64xf32>, vector<1024x64xf32>, vector<512x1024xf32> -> vector<512x1024xf32>
    %get3A_9 = arith.constant 0 : index
    %get3A_10 = arith.constant 0 : index
    %get3A_11 = vector.load %arg5[%get3A_9, %get3A_10] : memref<1x1024xf32, #tpu.memory_space<vmem>>, vector<1x1024xf32>
    %add3A = vector.broadcast %broadcast_in_dim3A : vector<512x1xf32> to vector<512x1024xf32>
    %add3A_12 = vector.broadcast %get3A_11 : vector<1x1024xf32> to vector<512x1024xf32>
    %add3A_13 = arith.addf %add3A, %add3A_12 : vector<512x1024xf32>
    %mul3A_14 = arith.constant 2.000000e+00 : f32
    %mul3A_15 = vector.broadcast %mul3A_14 : f32 to vector<512x1024xf32>
    %mul3A_16 = arith.mulf %mul3A_15, %dot_general3A_8 : vector<512x1024xf32>
    %sub3A = arith.subf %add3A_13, %mul3A_16 : vector<512x1024xf32>
    %reduce_min3A = arith.constant dense<0x7F800000> : vector<512xf32>
    %reduce_min3A_17 = vector.multi_reduction <minimumf>, %sub3A, %reduce_min3A [1] : vector<512x1024xf32> to vector<512xf32>
    %broadcast_in_dim3A_18 = vector.shape_cast %reduce_min3A_17 : vector<512xf32> to vector<512x1xf32>
    %eq3A_19 = vector.broadcast %broadcast_in_dim3A_18 : vector<512x1xf32> to vector<512x1024xf32>
    %eq3A_20 = arith.cmpf oeq, %sub3A, %eq3A_19 : vector<512x1024xf32>
    %get3A_21 = arith.constant 0 : index
    %get3A_22 = arith.constant 0 : index
    %get3A_23 = vector.load %arg6[%get3A_21, %get3A_22] : memref<1x1024xf32, #tpu.memory_space<vmem>>, vector<1x1024xf32>
    %jit3A = arith.constant 1.024000e+03 : f32
    %broadcast_in_dim3A_24 = vector.shape_cast %get3A_23 : vector<1x1024xf32> to vector<1x1024xf32>
    %broadcast_in_dim3A_25 = vector.broadcast %broadcast_in_dim3A_24 : vector<1x1024xf32> to vector<512x1024xf32>
    %broadcast_in_dim3A_26 = vector.broadcast %jit3A : f32 to vector<512x1024xf32>
    %select_n3A = arith.select %eq3A_20, %broadcast_in_dim3A_25, %broadcast_in_dim3A_26 : vector<512x1024xi1>, vector<512x1024xf32>
    %reduce_min3A_27 = arith.constant dense<0x7F800000> : vector<512xf32>
    %reduce_min3A_28 = vector.multi_reduction <minimumf>, %select_n3A, %reduce_min3A_27 [1] : vector<512x1024xf32> to vector<512xf32>
    %convert_element_type3A_29 = arith.fptosi %reduce_min3A_28 : vector<512xf32> to vector<512xi32>
    %swap3A = arith.constant 0 : index
    %swap3A_30 = vector.load %arg3[%swap3A] : memref<512xi32, #tpu.memory_space<vmem>>, vector<512xi32>
    tpu.vector_store %arg3[%swap3A], %convert_element_type3A_29 {strides = array<i32>} : memref<512xi32, #tpu.memory_space<vmem>>, vector<512xi32>,
    %get3A_31 = arith.constant 0 : index
    %get3A_32 = memref.load %arg7[%get3A_31] : memref<1xf32, #tpu.memory_space<smem>>
    %reduce_sum3A_33 = vector.shape_cast %broadcast_in_dim3A_18 : vector<512x1xf32> to vector<1x512x1xf32>
    %reduce_sum3A_34 = arith.constant dense<0.000000e+00> : vector<1xf32>
    %reduce_sum3A_35 = vector.multi_reduction <add>, %reduce_sum3A_33, %reduce_sum3A_34 [1, 2] : vector<1x512x1xf32> to vector<1xf32>
    %reduce_sum3A_36 = vector.shape_cast %reduce_sum3A_35 : vector<1xf32> to vector<1x1x1xf32>
    %reduce_sum3A_37 = vector.extract %reduce_sum3A_36[0, 0, 0] : f32 from vector<1x1x1xf32>
    %add3A_38 = arith.addf %get3A_32, %reduce_sum3A_37 : f32
    %swap3A_39 = arith.constant 0 : index
    %swap3A_40 = memref.load %arg7[%swap3A_39] : memref<1xf32, #tpu.memory_space<smem>>
    memref.store %add3A_38, %arg7[%swap3A_39] : memref<1xf32, #tpu.memory_space<smem>>
    %eq3A_41 = arith.constant 71 : i32
    %eq3A_42 = arith.cmpi eq, %arg0, %eq3A_41 : i32
    %convert_element_type3A_43 = arith.extui %eq3A_42 : i1 to i32
    %cond3A_44 = arith.constant 0 : i32
    %cond3A_45 = arith.cmpi ne, %convert_element_type3A_43, %cond3A_44 : i32
    scf.if %cond3A_45 {
      %broadcast_in_dim3A_46 = arith.constant 1.000000e+00 : f32
      %broadcast_in_dim3A_47 = vector.broadcast %broadcast_in_dim3A_46 : f32 to vector<1x1xf32>
      %get3A_48 = arith.constant 0 : index
      %get3A_49 = memref.load %arg7[%get3A_48] : memref<1xf32, #tpu.memory_space<smem>>
      %mul3A_50 = vector.broadcast %get3A_49 : f32 to vector<1x1xf32>
      %mul3A_51 = arith.mulf %broadcast_in_dim3A_47, %mul3A_50 : vector<1x1xf32>
      %swap3A_52 = arith.constant 0 : index
      %swap3A_53 = arith.constant 0 : index
      %swap3A_54 = vector.load %arg4[%swap3A_52, %swap3A_53] : memref<1x1xf32, #tpu.memory_space<vmem>>, vector<1x1xf32>
      tpu.vector_store %arg4[%swap3A_52, %swap3A_53], %mul3A_51 {strides = array<i32>} : memref<1x1xf32, #tpu.memory_space<vmem>>, vector<1x1xf32>,
    } else {
    }
    return
  }
  func.func @transform_0(%arg0: i32) -> (i32, i32) {
    %c0_i32 = arith.constant 0 : i32
    %c0_i32_0 = arith.constant 0 : i32
    return %arg0, %c0_i32 : i32, i32
  }
  func.func @transform_1(%arg0: i32) -> (i32, i32) {
    %c0_i32 = arith.constant 0 : i32
    %c0_i32_0 = arith.constant 0 : i32
    %c0_i32_1 = arith.constant 0 : i32
    return %c0_i32, %c0_i32_0 : i32, i32
  }
  func.func @transform_2(%arg0: i32) -> i32 {
    %c0_i32 = arith.constant 0 : i32
    return %arg0 : i32
  }
  func.func @transform_3(%arg0: i32) -> (i32, i32) {
    %c0_i32 = arith.constant 0 : i32
    %c0_i32_0 = arith.constant 0 : i32
    %c0_i32_1 = arith.constant 0 : i32
    return %c0_i32, %c0_i32_0 : i32, i32
  }
}

module attributes {stable_mosaic.version = 14 : i64} {
  func.func @_combine_block(%arg0: memref<2x16x128xf32, #tpu.memory_space<vmem>>, %arg1: memref<1x1xf32, #tpu.memory_space<vmem>>, %arg2: memref<1x1xf32, #tpu.memory_space<vmem>>, %arg3: memref<1x1xf32, #tpu.memory_space<vmem>>) attributes {dimension_semantics = [], scalar_prefetch = 0 : i64, scratch_operands = 0 : i64, tpu.core_type = #tpu.core_type<tc>} {
    %broadcast_in_dim3A = arith.constant 1.05963814E-7 : f32
    %broadcast_in_dim3A_0 = vector.broadcast %broadcast_in_dim3A : f32 to vector<1x1xf32>
    %get3A = arith.constant 0 : index
    %get3A_1 = arith.constant 0 : index
    %get3A_2 = vector.load %arg1[%get3A, %get3A_1] : memref<1x1xf32, #tpu.memory_space<vmem>>, vector<1x1xf32>
    %get3A_3 = vector.extract %get3A_2[0, 0] : f32 from vector<1x1xf32>
    %mul3A = vector.broadcast %get3A_3 : f32 to vector<1x1xf32>
    %mul3A_4 = arith.mulf %broadcast_in_dim3A_0, %mul3A : vector<1x1xf32>
    %swap3A = arith.constant 0 : index
    %swap3A_5 = arith.constant 0 : index
    %swap3A_6 = vector.load %arg2[%swap3A, %swap3A_5] : memref<1x1xf32, #tpu.memory_space<vmem>>, vector<1x1xf32>
    tpu.vector_store %arg2[%swap3A, %swap3A_5], %mul3A_4 {strides = array<i32>} : memref<1x1xf32, #tpu.memory_space<vmem>>, vector<1x1xf32>,
    %get3A_7 = arith.constant 0 : index
    %get3A_8 = arith.constant 0 : index
    %get3A_9 = arith.constant 0 : index
    %get3A_10 = vector.load %arg0[%get3A_7, %get3A_8, %get3A_9] : memref<2x16x128xf32, #tpu.memory_space<vmem>>, vector<1x16x128xf32>
    %get3A_11 = vector.shape_cast %get3A_10 : vector<1x16x128xf32> to vector<16x128xf32>
    %get3A_12 = arith.constant 1 : index
    %get3A_13 = arith.constant 0 : index
    %get3A_14 = arith.constant 0 : index
    %get3A_15 = vector.load %arg0[%get3A_12, %get3A_13, %get3A_14] : memref<2x16x128xf32, #tpu.memory_space<vmem>>, vector<1x16x128xf32>
    %get3A_16 = vector.shape_cast %get3A_15 : vector<1x16x128xf32> to vector<16x128xf32>
    %add3A = arith.addf %get3A_11, %get3A_16 : vector<16x128xf32>
    %mul3A_17 = arith.constant 2.71267363E-5 : f32
    %mul3A_18 = vector.broadcast %mul3A_17 : f32 to vector<16x128xf32>
    %mul3A_19 = arith.mulf %add3A, %mul3A_18 : vector<16x128xf32>
    %add3A_20 = arith.constant 1.000000e-10 : f32
    %add3A_21 = vector.broadcast %add3A_20 : f32 to vector<16x128xf32>
    %add3A_22 = arith.addf %mul3A_19, %add3A_21 : vector<16x128xf32>
    %log3A = math.log %add3A_22 : vector<16x128xf32>
    %mul3A_23 = arith.mulf %mul3A_19, %log3A : vector<16x128xf32>
    %reduce_sum3A = vector.shape_cast %mul3A_23 : vector<16x128xf32> to vector<1x16x128xf32>
    %reduce_sum3A_24 = arith.constant dense<0.000000e+00> : vector<1xf32>
    %reduce_sum3A_25 = vector.multi_reduction <add>, %reduce_sum3A, %reduce_sum3A_24 [1, 2] : vector<1x16x128xf32> to vector<1xf32>
    %reduce_sum3A_26 = vector.shape_cast %reduce_sum3A_25 : vector<1xf32> to vector<1x1x1xf32>
    %reduce_sum3A_27 = vector.extract %reduce_sum3A_26[0, 0, 0] : f32 from vector<1x1x1xf32>
    %neg3A = arith.constant 0.000000e+00 : f32
    %neg3A_28 = arith.subf %neg3A, %reduce_sum3A_27 : f32
    %broadcast_in_dim3A_29 = vector.broadcast %neg3A_28 : f32 to vector<1x1xf32>
    %exp3A = math.exp %broadcast_in_dim3A_29 : vector<1x1xf32>
    %swap3A_30 = arith.constant 0 : index
    %swap3A_31 = arith.constant 0 : index
    %swap3A_32 = vector.load %arg3[%swap3A_30, %swap3A_31] : memref<1x1xf32, #tpu.memory_space<vmem>>, vector<1x1xf32>
    tpu.vector_store %arg3[%swap3A_30, %swap3A_31], %exp3A {strides = array<i32>} : memref<1x1xf32, #tpu.memory_space<vmem>>, vector<1x1xf32>,
    return
  }
}

</mosaic_0001>

<sc_bundles>
// kernel: kernel.5.cloned.1.call-start
scs
__scs_entry_jumppad:
0x0: {  	(pc) =	sbr.rel $0x88, $3  }
0x1: {  	(tag) =	ssettag $0x0;
	lr =	simm.s32 $0x1  }
0x2: {  	[smem:$0x3F9F] =	sst lr;
	_ =	strace $0xD0000000  }
0x3: {  	_ = 	snop  }
0x4: {  	_ = 	snop  }
0x5: {  	_ = 	snop  }
0x6: {  	_ = 	snop  }
0x7: {  	_ = 	snop  }
__scs_overlays_trampoline_lowered:
0x8: {  	[smem:$0x3FAE] =	sst s0  }
0x9: {  	[smem:$0x3FAF] =	sst s1  }
0xa: {  	[smem:$0x3FB0] =	sst s2  }
0xb: {  	[smem:$0x3FB1] =	sst s3  }
0xc: {  	[smem:$0x3FB2] =	sst s4  }
0xd: {  	[smem:$0x3FB3] =	sst s5  }
0xe: {  	[smem:$0x3FB4] =	sst s6  }
0xf: {  	[smem:$0x3FB5] =	sst s7  }
0x10: {  	[smem:$0x3FB6] =	sst s8  }
0x11: {  	[smem:$0x3FB7] =	sst s9;
	s0 =	simm.s32 @!p0 $0x0  }
0x12: {  	s1 =	sld [smem:$0x3F9D];
	s0 =	simm.s32 @p0 $0x1  }
0x13: {  	[smem:$0x3FB8] =	sst s0;
	s0 =	simm.s32 @!p1 $0x0  }
0x14: {  	s2 =	sld [smem:$0x3F9C];
	s0 =	simm.s32 @p1 $0x1  }
0x15: {  	[smem:$0x3FB9] =	sst s0;
	s0 =	simm.s32 @!p2 $0x0  }
0x16: {  	s3 =	sld [smem:$0x3FDB];
	s0 =	simm.s32 @p2 $0x1  }
0x17: {  	s4 =	simm.s32 $0x1BF5;
	[smem:$0x3FBB] =	sst s0  }
0x18: {  	s0 =	sld [smem:$0x3F9E];
	_ =	swait.ge [sflag:s4], $0x0  }
0x19: {  	s7 =	sld [smem:$0x3F9F]  }
0x1a: {  	s8 =	sadd.s32 $0xFFFFE003, lr  }
0x1b: {  	s9 =	sadd.s32 $0xFFFFFEF7, lr;
	s5 =	simm.s32 $0xFFFFFFFF;
	p2 =	slt.u32 s8, $0xFFFFF086  }
0x1c: {  	p1 =	slt.u32 s9, $0xF7A;
	s5 =	simm.s32 @!p2 $0x0  }
0x1d: {  	s5 =	simm.s32 @p1 $0x1;
	p0 =	seq.s32 s7, s2  }
0x1e: {  	s7 =	smul.u32 @!p0 $0xF7A, s2;
	p2 =	seq.s32 @!p0 s5, $0x0  }
0x1f: {  	s9 =	smul.u32 $0xF7A, s1;
	s8 =	simm.s32 @!p0 $0x1BF5;
	p2 =	por !p2, p0  }
0x20: {  	[sflag:s8] =	ssyncset.s32 @!p0 $0xFFFFF086;
	s6 =	sadd.s32 @!p0 s3, s7;
	s7 =	simm.s32 @!p0 $0x108  }
0x21: {  	s3 =	sadd.s32 s3, s9;
	s6 =	sadd.s32 @!p0 $0x88, s6;
	s7 =	simm.s32 @p2 $0x1082  }
0x22: {  	[simem:s7], [sflag:s8] =	dma.local @!p0 [hbm:s6], $0xF7A  }
0x23: {  	s9 =	sor.u32 $0xD0000000, s2;
	s6 =	simm.s32 $0x108;
	_ =	swait.ge @!p0 [sflag:s8], $0x0  }
0x24: {  	s3 =	sadd.s32 $0x88, s3;
	s6 =	simm.s32 @!p1 $0x1082;
	[sflag:s4] =	ssyncset.s32 $0xFFFFF086  }
0x25: {  	[simem:s6], [sflag:s4] =	dma.local [hbm:s3], $0xF7A  }
0x26: {  	[smem:$0x3F9F] =	sst s1;
	(tag) =	ssettag s2;
	_ =	strace s9  }
0x27: {  	s1 =	sld [smem:$0x3FAF]  }
0x28: {  	s2 =	sld [smem:$0x3FB0]  }
0x29: {  	s4 =	sld [smem:$0x3FB2]  }
0x2a: {  	p0 =	seq.s32 s5, $0x0;
	s5 =	sld [smem:$0x3FB3]  }
0x2b: {  	s6 =	sld [smem:$0x3FB4]  }
0x2c: {  	s7 =	sld [smem:$0x3FB5]  }
0x2d: {  	s3 =	simm.s32 $0x108;
	s8 =	sld [smem:$0x3FB6]  }
0x2e: {  	s3 =	simm.s32 @!p0 $0x1082;
	s9 =	sld [smem:$0x3FB7]  }
0x2f: {  	lr =	sadd.s32 s0, s3;
	s0 =	sld [smem:$0x3FAE]  }
0x30: {  	s3 =	sld [smem:$0x3FB1]  }
0x31: {  	[smem:$0x3FBA] =	sst s10  }
0x32: {  	s10 =	sld [smem:$0x3FB8];
	_ =	sdelay $0x3  }
0x33: {  	p0 =	seq.s32 s10, $0x1;
	s10 =	sld [smem:$0x3FBA];
	_ =	sdelay $0x3  }
0x34: {  	[smem:$0x3FBA] =	sst s10  }
0x35: {  	s10 =	sld [smem:$0x3FB9];
	_ =	sdelay $0x3  }
0x36: {  	p1 =	seq.s32 s10, $0x1;
	s10 =	sld [smem:$0x3FBA];
	_ =	sdelay $0x3  }
0x37: {  	[smem:$0x3FBA] =	sst s10  }
0x38: {  	s10 =	sld [smem:$0x3FBB]  }
0x39: {  	_ = 	snop;
	(pc) =	sbr.ind lr, $3  }
0x3a: {  	_ = 	snop  }
0x3b: {  	_ = 	snop  }
0x3c: {  	p2 =	seq.s32 s10, $0x1;
	s10 =	sld [smem:$0x3FBA]  }
0x3d: {  	_ =	shalt  }
0x3e: {  	_ =	shalt  }
0x3f: {  	_ =	shalt  }
0x40: {  	_ =	shalt  }
0x41: {  	_ =	shalt  }
0x42: {  	_ =	shalt  }
0x43: {  	_ =	shalt  }
0x44: {  	_ =	shalt  }
0x45: {  	_ =	shalt  }
0x46: {  	_ =	shalt  }
0x47: {  	_ =	shalt  }
0x48: {  	_ =	shalt  }
0x49: {  	_ =	shalt  }
0x4a: {  	_ =	shalt  }
0x4b: {  	_ =	shalt  }
0x4c: {  	_ =	shalt  }
0x4d: {  	_ =	shalt  }
0x4e: {  	_ =	shalt  }
0x4f: {  	_ =	shalt  }
0x50: {  	_ =	shalt  }
0x51: {  	_ =	shalt  }
0x52: {  	_ =	shalt  }
0x53: {  	_ =	shalt  }
0x54: {  	_ =	shalt  }
0x55: {  	_ =	shalt  }
0x56: {  	_ =	shalt  }
0x57: {  	_ =	shalt  }
0x58: {  	_ =	shalt  }
0x59: {  	_ =	shalt  }
0x5a: {  	_ =	shalt  }
0x5b: {  	_ =	shalt  }
0x5c: {  	_ =	shalt  }
0x5d: {  	_ =	shalt  }
0x5e: {  	_ =	shalt  }
0x5f: {  	_ =	shalt  }
0x60: {  	_ =	shalt  }
0x61: {  	_ =	shalt  }
0x62: {  	_ =	shalt  }
0x63: {  	_ =	shalt  }
0x64: {  	_ =	shalt  }
0x65: {  	_ =	shalt  }
0x66: {  	_ =	shalt  }
0x67: {  	_ =	shalt  }
0x68: {  	_ =	shalt  }
0x69: {  	_ =	shalt  }
0x6a: {  	_ =	shalt  }
0x6b: {  	_ =	shalt  }
0x6c: {  	_ =	shalt  }
0x6d: {  	_ =	shalt  }
0x6e: {  	_ =	shalt  }
0x6f: {  	_ =	shalt  }
0x70: {  	_ =	shalt  }
0x71: {  	_ =	shalt  }
0x72: {  	_ =	shalt  }
0x73: {  	_ =	shalt  }
0x74: {  	_ =	shalt  }
0x75: {  	_ =	shalt  }
0x76: {  	_ =	shalt  }
0x77: {  	_ =	shalt  }
0x78: {  	_ =	shalt  }
0x79: {  	_ =	shalt  }
0x7a: {  	_ =	shalt  }
0x7b: {  	_ =	shalt  }
0x7c: {  	_ =	shalt  }
0x7d: {  	_ =	shalt  }
0x7e: {  	_ =	shalt  }
0x7f: {  	_ =	shalt  }
0x80: {  	_ =	shalt  }
0x81: {  	_ =	shalt  }
0x82: {  	_ =	shalt  }
0x83: {  	_ =	shalt  }
0x84: {  	_ =	shalt  }
0x85: {  	_ =	shalt  }
0x86: {  	_ =	shalt  }
0x87: {  	_ =	shalt  }
.Lfunc_end0:
.L_simem_size_0:
called_computation_lowered:
.L_overlay_start_0:
0x88: {  	s2 =	sld [smem:$0x3FD9]  }
0x89: {  	s3 =	sld [smem:$0x3FFE];
	_ =	sdelay $0x1  }
0x8a: {  	s1 =	srdreg.scid  }
0x8b: {  	s0 =	sand.u32 $0x1, s1  }
0x8c: {  	s14 =	sshll.u32 s0, $0xA;
	s2 =	sadd.s32 s3, s2  }
0x8d: {  	s2 =	sadd.s32 s2, s14  }
0x8e: {  	[smem:$0x3FC6] =	sst s2  }
0x8f: {  	_ = 	snop  }
0x90: {  	s2 =	sld [smem:$0x3FD0];
	_ =	sdelay $0x2  }
0x91: {  	s15 =	simm.s32 $0xA;
	s4 =	simm.s32 $0x10  }
0x92: {  	[smem:s4], [sflag:s15] =	dma.local [hbm:s2], $0x1  }
0x93: {  	_ =	swait.eq [sflag:s15], $0x1  }
0x94: {  	[sflag:s15] =	ssyncset.done $0x0  }
0x95: {  	s16 =	sld [smem:$0x10];
	[sflag:s15] =	ssyncadd.s32 $0xFFFFFFFF  }
0x96: {  	s17 =	sld [smem:$0x12];
	(tm) =	ssettm $0x1  }
0x97: {  	s18 =	sld [smem:$0x3FFB];
	_ =	sdelay $0x3  }
0x98: {  	_ =	strace s18  }
0x99: {  	s4 =	sld [smem:$0x3FFC];
	_ =	sdelay $0x3  }
0x9a: {  	_ =	strace s4  }
0x9b: {  	s4 =	sld [smem:$0x3FFD];
	_ =	sdelay $0x3  }
0x9c: {  	_ =	strace s4  }
0x9d: {  	_ =	strace $0x8FFFFFFF  }
0x9e: {  	s19 =	sld [smem:$0x3FDB];
	_ =	sdelay $0x1  }
0x9f: {  	s5 =	simm.s32 $_scs_section_size  }
0xa0: {  	s6 =	simm.s32 $_size__tile_overlayer_lowered;
	s7 =	simm.s32 $_tile_overlayer_lowered  }
0xa1: {  	s22 =	simm.s32 $0x1BFF;
	s21 =	sshll.u32 s7, $0x1;
	s4 =	sadd.s32 s5, s19  }
0xa2: {  	s8 =	simm.s32 $0x0;
	s20 =	sshll.u32 s6, $0x1;
	s6 =	sadd.s32 s21, s4  }
0xa3: {  	[timem:s8], [sflag:s22] =	dma.local [hbm:s6], s20  }
0xa4: {  	_ =	swait.ge [sflag:s22], s20  }
0xa5: {  	s5 =	ssub.s32 $0x0, s20;
	[sflag:s22] =	ssyncset.done $0x0  }
0xa6: {  	[sflag:s22] =	ssyncadd.s32 s5;
	_ =	sdelay $0x1  }
0xa7: {  	s23 =	simm.s32 $0x1B8B  }
0xa8: {  	_ =	swait.ge [sflag:s23], $0x1  }
0xa9: {  	[sflag:s23] =	ssyncset.done $0x0  }
0xaa: {  	s25 =	simm.s32 $0x1B8E;
	s24 =	sld [smem:$0x3FFE];
	[sflag:s23] =	ssyncadd.s32 $0xFFFFFFFF  }
0xab: {  	s26 =	simm.s32 $execute0_lowered;
	[smem:$0x3FD2] =	sst s25  }
0xac: {  	s6 =	sshll.u32 s26, $0x1;
	_ =	strace $0x80000046;
	[dreg:$0x1] =	wrdreg $0xFFFFFFFF  }
0xad: {  	s28 =	simm.s32 $_size_execute0_lowered;
	s4 =	sadd.s32 s4, s6;
	[dreg:$0x0] =	wrdreg $0x0  }
0xae: {  	s6 =	sshll.u32 s28, $0x1;
	[dreg:$0x2] =	wrdreg s4  }
0xaf: {  	[dreg:$0x3] =	wrdreg s6  }
0xb0: {  	[dreg:$0x4] =	wrdreg $0xC0  }
0xb1: {  	_ =	task [dreg:s8], $0x5FFFF  }
0xb2: {  	[dreg:$0x1] =	wrdreg $0xFFFFFFFF  }
0xb3: {  	[dreg:$0x0] =	wrdreg $0x60  }
0xb4: {  	[dreg:$0x2] =	wrdreg s16  }
0xb5: {  	[dreg:$0x3] =	wrdreg s24  }
0xb6: {  	[dreg:$0x4] =	wrdreg s17  }
0xb7: {  	[dreg:$0x5] =	wrdreg $0x134800  }
0xb8: {  	[dreg:$0x6] =	wrdreg $0x9  }
0xb9: {  	_ =	task.clear_ibuf [dreg:s8], $0x7FFFF;
	_ =	strace $0x90000046  }
0xba: {  	s29 =	simm.s32 $0x9;
	_ =	strace $0x80000048  }
0xbb: {  	_ =	swait.ge [sflag:s29], $0x1  }
0xbc: {  	[sflag:s29] =	ssyncadd.s32 $0xFFFFFFFF  }
0xbd: {  	_ =	strace $0x90000048  }
0xbe: {  	_ =	sfence  }
0xbf: {  	s30 =	sld [smem:$0x0];
	_ =	sdelay $0x2  }
0xc0: {  	s31 =	sshll.u32 s1, $0xD;
	s1 =	sshrl.u32 s1, $0x2  }
0xc1: {  	s3 =	sand.u32 $0x4000, s31;
	s1 =	sadd.s32 s1, s30  }
0xc2: {  	s0 =	sor.u32 s3, s0;
	s1 =	sshll.u32 s1, $0x11  }
0xc3: {  	s0 =	sor.u32 s1, s0  }
0xc4: {  	s0 =	sadd.s32 $0x8F2B, s0  }
0xc5: {  	[sflag:s0] =	ssyncadd.remote.s32 $0x1  }
0xc6: {  	_ =	sfence.sel $0xFFFF  }
0xc7: {  	[dreg:$0x0] =	wrdreg $0xFFFFFFFF;
	(pc) =	sbr.abs _section_cstart, $3  }
0xc8: {  	[dreg:$0x1] =	wrdreg $0xFFFFFFFF  }
0xc9: {  	_ =	task.clear_ibuf [dreg:s8], $0x2FFFF;
	_ =	strace $0x9FFFFFFF  }
0xca: {  	(tm) =	ssettm $0x7FFFFFFF  }
0xcb: {  	_ =	shalt  }
tec
execute0_lowered:
.L_overlay_start_1:
0x0: {  	(tag) =	ssettag $0x1  }
0x1: {  	s1 =	rddreg [dreg:$0x0]  }
0x2: {  	s4 =	rddreg [dreg:$0x1]  }
0x3: {  	s6 =	rddreg [dreg:$0x2]  }
0x4: {  	s2 =	rddreg [dreg:$0x3]  }
0x5: {  	s0 =	rddreg [dreg:$0x4]  }
0x6: {  	s5 =	srdreg.scid;
	s9 =	stileid.u32;
	s3 =	simm.s32 $0x0  }
0x7: {  	s13 =	simm.s32 $0x12480;
	s14 =	simm.s32 $0x1;
	s15 =	simm.s32 $0x2  }
0x8: {  	s16 =	simm.s32 $0x3;
	s5 =	sand.u32 $0x1, s5;
	s7 =	sshll.u32 s9, $0x1  }
0x9: {  	[smem:$0x7FF] =	sst s3;
	p0 =	sne.s32 s9, $0x0;
	s7 =	sor.u32 s5, s7  }
0xa: {  	s9 =	simm.s32 $0x4;
	_ =	strace $0x80000047;
	s8 =	smul.u32 $0x90, s7  }
0xb: {  	s10 =	sshll.u32 s5, $0x8;
	s5 =	ssub.s32 $0x2, s5;
	s11 =	smul.u32 $0x12000, s7  }
0xc: {  	s10 =	sadd.s32 s10, s4;
	s30 =	sshrl.u32 s5, $0x1;
	s7 =	smul.u32 $0x2400, s7  }
0xd: {  	s12 =	ssub.s32 s5, s30;
	s5 =	sadd.s32 $0x2600, s10;
	s8 =	sadd.s32 s8, s4  }
0xe: {  	s10 =	simm.s32 $0x240;
	s11 =	sshrl.u32 s11, $0x3;
	s4 =	sadd.s32 $0x1400, s8  }
0xf: {  	v0 =	vimm.f32 $0.0e+00;
	s31 =	sadd.s32 s6, s11;
	s6 =	sadd.s32 s6, s7;
	s8 =	smax.u32 s12, $0x1  }
0x10: {  	v1 =	vimm.f32 $1.000000000e+00;
	vm0 =	vmmov @p0 $0xffff;
	vm1 =	vmmov @!p0 $0xffff;
	s11 =	simm.s32 $0x480;
	s12 =	simm.s32 $0x9480;
	s7 =	sadd.s32 $0x1200, s31  }
.LBB2_1:
0x11: {  	[tilespmem:s3], [sflag:$0x4] =	stream.linear.gather [hbm4b:s4+s3], $0x480, $0x38;
	[tilespmem:$0x13500] =	vst v63  }
0x12: {  	_ =	swait.ge [sflag:s9], $0x480  }
0x13: {  	[sflag:s9] =	ssyncset.done $0x0  }
0x14: {  	[sflag:s9] =	ssyncadd.s32 $0xFFFFFB80  }
0x15: {  	[tilespmem:s11], [sflag:$0x1] =	stream.indirect.gather [hbm4b:s1+s10], $0x40, s3, s10, $0xb8;
	[tilespmem:$0x13500] =	vst v63  }
0x16: {  	_ = 	snop  }
0x17: {  	[tilespmem:s12], [sflag:$0x2] =	stream.indirect.gather [hbm4b:s1+s10], $0x40, s10, s10, $0xb8;
	[tilespmem:$0x13500] =	vst v63  }
0x18: {  	[tilespmem:$0x12480] =	vst v0  }
0x19: {  	[tilespmem:$0x12C80] =	vst v0  }
0x1a: {  	[tilespmem:$0x12490] =	vst v0  }
0x1b: {  	[tilespmem:$0x12C90] =	vst v0  }
0x1c: {  	[tilespmem:$0x124A0] =	vst v0  }
0x1d: {  	[tilespmem:$0x12CA0] =	vst v0  }
0x1e: {  	[tilespmem:$0x124B0] =	vst v0  }
0x1f: {  	[tilespmem:$0x12CB0] =	vst v0  }
0x20: {  	[tilespmem:$0x124C0] =	vst v0  }
0x21: {  	[tilespmem:$0x12CC0] =	vst v0  }
0x22: {  	[tilespmem:$0x124D0] =	vst v0  }
0x23: {  	[tilespmem:$0x12CD0] =	vst v0  }
0x24: {  	[tilespmem:$0x124E0] =	vst v0  }
0x25: {  	[tilespmem:$0x12CE0] =	vst v0  }
0x26: {  	[tilespmem:$0x124F0] =	vst v0  }
0x27: {  	[tilespmem:$0x12CF0] =	vst v0  }
0x28: {  	[tilespmem:$0x12500] =	vst v0  }
0x29: {  	[tilespmem:$0x12D00] =	vst v0  }
0x2a: {  	[tilespmem:$0x12510] =	vst v0  }
0x2b: {  	[tilespmem:$0x12D10] =	vst v0  }
0x2c: {  	[tilespmem:$0x12520] =	vst v0  }
0x2d: {  	[tilespmem:$0x12D20] =	vst v0  }
0x2e: {  	[tilespmem:$0x12530] =	vst v0  }
0x2f: {  	[tilespmem:$0x12D30] =	vst v0  }
0x30: {  	[tilespmem:$0x12540] =	vst v0  }
0x31: {  	[tilespmem:$0x12D40] =	vst v0  }
0x32: {  	[tilespmem:$0x12550] =	vst v0  }
0x33: {  	[tilespmem:$0x12D50] =	vst v0  }
0x34: {  	[tilespmem:$0x12560] =	vst v0  }
0x35: {  	[tilespmem:$0x12D60] =	vst v0  }
0x36: {  	[tilespmem:$0x12570] =	vst v0  }
0x37: {  	[tilespmem:$0x12D70] =	vst v0  }
0x38: {  	[tilespmem:$0x12580] =	vst v0  }
0x39: {  	[tilespmem:$0x12D80] =	vst v0  }
0x3a: {  	[tilespmem:$0x12590] =	vst v0  }
0x3b: {  	[tilespmem:$0x12D90] =	vst v0  }
0x3c: {  	[tilespmem:$0x125A0] =	vst v0  }
0x3d: {  	[tilespmem:$0x12DA0] =	vst v0  }
0x3e: {  	[tilespmem:$0x125B0] =	vst v0  }
0x3f: {  	[tilespmem:$0x12DB0] =	vst v0  }
0x40: {  	[tilespmem:$0x125C0] =	vst v0  }
0x41: {  	[tilespmem:$0x12DC0] =	vst v0  }
0x42: {  	[tilespmem:$0x125D0] =	vst v0  }
0x43: {  	[tilespmem:$0x12DD0] =	vst v0  }
0x44: {  	[tilespmem:$0x125E0] =	vst v0  }
0x45: {  	[tilespmem:$0x12DE0] =	vst v0  }
0x46: {  	[tilespmem:$0x125F0] =	vst v0  }
0x47: {  	[tilespmem:$0x12DF0] =	vst v0  }
0x48: {  	[tilespmem:$0x12600] =	vst v0  }
0x49: {  	[tilespmem:$0x12E00] =	vst v0  }
0x4a: {  	[tilespmem:$0x12610] =	vst v0  }
0x4b: {  	[tilespmem:$0x12E10] =	vst v0  }
0x4c: {  	[tilespmem:$0x12620] =	vst v0  }
0x4d: {  	[tilespmem:$0x12E20] =	vst v0  }
0x4e: {  	[tilespmem:$0x12630] =	vst v0  }
0x4f: {  	[tilespmem:$0x12E30] =	vst v0  }
0x50: {  	[tilespmem:$0x12640] =	vst v0  }
0x51: {  	[tilespmem:$0x12E40] =	vst v0  }
0x52: {  	[tilespmem:$0x12650] =	vst v0  }
0x53: {  	[tilespmem:$0x12E50] =	vst v0  }
0x54: {  	[tilespmem:$0x12660] =	vst v0  }
0x55: {  	[tilespmem:$0x12E60] =	vst v0  }
0x56: {  	[tilespmem:$0x12670] =	vst v0  }
0x57: {  	[tilespmem:$0x12E70] =	vst v0  }
0x58: {  	[tilespmem:$0x12680] =	vst v0  }
0x59: {  	[tilespmem:$0x12E80] =	vst v0  }
0x5a: {  	[tilespmem:$0x12690] =	vst v0  }
0x5b: {  	[tilespmem:$0x12E90] =	vst v0  }
0x5c: {  	[tilespmem:$0x126A0] =	vst v0  }
0x5d: {  	[tilespmem:$0x12EA0] =	vst v0  }
0x5e: {  	[tilespmem:$0x126B0] =	vst v0  }
0x5f: {  	[tilespmem:$0x12EB0] =	vst v0  }
0x60: {  	[tilespmem:$0x126C0] =	vst v0  }
0x61: {  	[tilespmem:$0x12EC0] =	vst v0  }
0x62: {  	[tilespmem:$0x126D0] =	vst v0  }
0x63: {  	[tilespmem:$0x12ED0] =	vst v0  }
0x64: {  	[tilespmem:$0x126E0] =	vst v0  }
0x65: {  	[tilespmem:$0x12EE0] =	vst v0  }
0x66: {  	[tilespmem:$0x126F0] =	vst v0  }
0x67: {  	[tilespmem:$0x12EF0] =	vst v0  }
0x68: {  	[tilespmem:$0x12700] =	vst v0  }
0x69: {  	[tilespmem:$0x12F00] =	vst v0  }
0x6a: {  	[tilespmem:$0x12710] =	vst v0  }
0x6b: {  	[tilespmem:$0x12F10] =	vst v0  }
0x6c: {  	[tilespmem:$0x12720] =	vst v0  }
0x6d: {  	[tilespmem:$0x12F20] =	vst v0  }
0x6e: {  	[tilespmem:$0x12730] =	vst v0  }
0x6f: {  	[tilespmem:$0x12F30] =	vst v0  }
0x70: {  	[tilespmem:$0x12740] =	vst v0  }
0x71: {  	[tilespmem:$0x12F40] =	vst v0  }
0x72: {  	[tilespmem:$0x12750] =	vst v0  }
0x73: {  	[tilespmem:$0x12F50] =	vst v0  }
0x74: {  	[tilespmem:$0x12760] =	vst v0  }
0x75: {  	[tilespmem:$0x12F60] =	vst v0  }
0x76: {  	[tilespmem:$0x12770] =	vst v0  }
0x77: {  	[tilespmem:$0x12F70] =	vst v0  }
0x78: {  	[tilespmem:$0x12780] =	vst v0  }
0x79: {  	[tilespmem:$0x12F80] =	vst v0  }
0x7a: {  	[tilespmem:$0x12790] =	vst v0  }
0x7b: {  	[tilespmem:$0x12F90] =	vst v0  }
0x7c: {  	[tilespmem:$0x127A0] =	vst v0  }
0x7d: {  	[tilespmem:$0x12FA0] =	vst v0  }
0x7e: {  	[tilespmem:$0x127B0] =	vst v0  }
0x7f: {  	[tilespmem:$0x12FB0] =	vst v0  }
0x80: {  	[tilespmem:$0x127C0] =	vst v0  }
0x81: {  	[tilespmem:$0x12FC0] =	vst v0  }
0x82: {  	[tilespmem:$0x127D0] =	vst v0  }
0x83: {  	[tilespmem:$0x12FD0] =	vst v0  }
0x84: {  	[tilespmem:$0x127E0] =	vst v0  }
0x85: {  	[tilespmem:$0x12FE0] =	vst v0  }
0x86: {  	[tilespmem:$0x127F0] =	vst v0  }
0x87: {  	[tilespmem:$0x12FF0] =	vst v0  }
0x88: {  	[tilespmem:$0x12800] =	vst v0  }
0x89: {  	[tilespmem:$0x13000] =	vst v0  }
0x8a: {  	[tilespmem:$0x12810] =	vst v0  }
0x8b: {  	[tilespmem:$0x13010] =	vst v0  }
0x8c: {  	[tilespmem:$0x12820] =	vst v0  }
0x8d: {  	[tilespmem:$0x13020] =	vst v0  }
0x8e: {  	[tilespmem:$0x12830] =	vst v0  }
0x8f: {  	[tilespmem:$0x13030] =	vst v0  }
0x90: {  	[tilespmem:$0x12840] =	vst v0  }
0x91: {  	[tilespmem:$0x13040] =	vst v0  }
0x92: {  	[tilespmem:$0x12850] =	vst v0  }
0x93: {  	[tilespmem:$0x13050] =	vst v0  }
0x94: {  	[tilespmem:$0x12860] =	vst v0  }
0x95: {  	[tilespmem:$0x13060] =	vst v0  }
0x96: {  	[tilespmem:$0x12870] =	vst v0  }
0x97: {  	[tilespmem:$0x13070] =	vst v0  }
0x98: {  	[tilespmem:$0x12880] =	vst v0  }
0x99: {  	[tilespmem:$0x13080] =	vst v0  }
0x9a: {  	[tilespmem:$0x12890] =	vst v0  }
0x9b: {  	[tilespmem:$0x13090] =	vst v0  }
0x9c: {  	[tilespmem:$0x128A0] =	vst v0  }
0x9d: {  	[tilespmem:$0x130A0] =	vst v0  }
0x9e: {  	[tilespmem:$0x128B0] =	vst v0  }
0x9f: {  	[tilespmem:$0x130B0] =	vst v0  }
0xa0: {  	[tilespmem:$0x128C0] =	vst v0  }
0xa1: {  	[tilespmem:$0x130C0] =	vst v0  }
0xa2: {  	[tilespmem:$0x128D0] =	vst v0  }
0xa3: {  	[tilespmem:$0x130D0] =	vst v0  }
0xa4: {  	[tilespmem:$0x128E0] =	vst v0  }
0xa5: {  	[tilespmem:$0x130E0] =	vst v0  }
0xa6: {  	[tilespmem:$0x128F0] =	vst v0  }
0xa7: {  	[tilespmem:$0x130F0] =	vst v0  }
0xa8: {  	[tilespmem:$0x12900] =	vst v0  }
0xa9: {  	[tilespmem:$0x13100] =	vst v0  }
0xaa: {  	[tilespmem:$0x12910] =	vst v0  }
0xab: {  	[tilespmem:$0x13110] =	vst v0  }
0xac: {  	[tilespmem:$0x12920] =	vst v0  }
0xad: {  	[tilespmem:$0x13120] =	vst v0  }
0xae: {  	[tilespmem:$0x12930] =	vst v0  }
0xaf: {  	[tilespmem:$0x13130] =	vst v0  }
0xb0: {  	[tilespmem:$0x12940] =	vst v0  }
0xb1: {  	[tilespmem:$0x13140] =	vst v0  }
0xb2: {  	[tilespmem:$0x12950] =	vst v0  }
0xb3: {  	[tilespmem:$0x13150] =	vst v0  }
0xb4: {  	[tilespmem:$0x12960] =	vst v0  }
0xb5: {  	[tilespmem:$0x13160] =	vst v0  }
0xb6: {  	[tilespmem:$0x12970] =	vst v0  }
0xb7: {  	[tilespmem:$0x13170] =	vst v0  }
0xb8: {  	[tilespmem:$0x12980] =	vst v0  }
0xb9: {  	[tilespmem:$0x13180] =	vst v0  }
0xba: {  	[tilespmem:$0x12990] =	vst v0  }
0xbb: {  	[tilespmem:$0x13190] =	vst v0  }
0xbc: {  	[tilespmem:$0x129A0] =	vst v0  }
0xbd: {  	[tilespmem:$0x131A0] =	vst v0  }
0xbe: {  	[tilespmem:$0x129B0] =	vst v0  }
0xbf: {  	[tilespmem:$0x131B0] =	vst v0  }
0xc0: {  	[tilespmem:$0x129C0] =	vst v0  }
0xc1: {  	[tilespmem:$0x131C0] =	vst v0  }
0xc2: {  	[tilespmem:$0x129D0] =	vst v0  }
0xc3: {  	[tilespmem:$0x131D0] =	vst v0  }
0xc4: {  	[tilespmem:$0x129E0] =	vst v0  }
0xc5: {  	[tilespmem:$0x131E0] =	vst v0  }
0xc6: {  	[tilespmem:$0x129F0] =	vst v0  }
0xc7: {  	[tilespmem:$0x131F0] =	vst v0  }
0xc8: {  	[tilespmem:$0x12A00] =	vst v0  }
0xc9: {  	[tilespmem:$0x13200] =	vst v0  }
0xca: {  	[tilespmem:$0x12A10] =	vst v0  }
0xcb: {  	[tilespmem:$0x13210] =	vst v0  }
0xcc: {  	[tilespmem:$0x12A20] =	vst v0  }
0xcd: {  	[tilespmem:$0x13220] =	vst v0  }
0xce: {  	[tilespmem:$0x12A30] =	vst v0  }
0xcf: {  	[tilespmem:$0x13230] =	vst v0  }
0xd0: {  	[tilespmem:$0x12A40] =	vst v0  }
0xd1: {  	[tilespmem:$0x13240] =	vst v0  }
0xd2: {  	[tilespmem:$0x12A50] =	vst v0  }
0xd3: {  	[tilespmem:$0x13250] =	vst v0  }
0xd4: {  	[tilespmem:$0x12A60] =	vst v0  }
0xd5: {  	[tilespmem:$0x13260] =	vst v0  }
0xd6: {  	[tilespmem:$0x12A70] =	vst v0  }
0xd7: {  	[tilespmem:$0x13270] =	vst v0  }
0xd8: {  	[tilespmem:$0x12A80] =	vst v0  }
0xd9: {  	[tilespmem:$0x13280] =	vst v0  }
0xda: {  	[tilespmem:$0x12A90] =	vst v0  }
0xdb: {  	[tilespmem:$0x13290] =	vst v0  }
0xdc: {  	[tilespmem:$0x12AA0] =	vst v0  }
0xdd: {  	[tilespmem:$0x132A0] =	vst v0  }
0xde: {  	[tilespmem:$0x12AB0] =	vst v0  }
0xdf: {  	[tilespmem:$0x132B0] =	vst v0  }
0xe0: {  	[tilespmem:$0x12AC0] =	vst v0  }
0xe1: {  	[tilespmem:$0x132C0] =	vst v0  }
0xe2: {  	[tilespmem:$0x12AD0] =	vst v0  }
0xe3: {  	[tilespmem:$0x132D0] =	vst v0  }
0xe4: {  	[tilespmem:$0x12AE0] =	vst v0  }
0xe5: {  	[tilespmem:$0x132E0] =	vst v0  }
0xe6: {  	[tilespmem:$0x12AF0] =	vst v0  }
0xe7: {  	[tilespmem:$0x132F0] =	vst v0  }
0xe8: {  	[tilespmem:$0x12B00] =	vst v0  }
0xe9: {  	[tilespmem:$0x13300] =	vst v0  }
0xea: {  	[tilespmem:$0x12B10] =	vst v0  }
0xeb: {  	[tilespmem:$0x13310] =	vst v0  }
0xec: {  	[tilespmem:$0x12B20] =	vst v0  }
0xed: {  	[tilespmem:$0x13320] =	vst v0  }
0xee: {  	[tilespmem:$0x12B30] =	vst v0  }
0xef: {  	[tilespmem:$0x13330] =	vst v0  }
0xf0: {  	[tilespmem:$0x12B40] =	vst v0  }
0xf1: {  	[tilespmem:$0x13340] =	vst v0  }
0xf2: {  	[tilespmem:$0x12B50] =	vst v0  }
0xf3: {  	[tilespmem:$0x13350] =	vst v0  }
0xf4: {  	[tilespmem:$0x12B60] =	vst v0  }
0xf5: {  	[tilespmem:$0x13360] =	vst v0  }
0xf6: {  	[tilespmem:$0x12B70] =	vst v0  }
0xf7: {  	[tilespmem:$0x13370] =	vst v0  }
0xf8: {  	[tilespmem:$0x12B80] =	vst v0  }
0xf9: {  	[tilespmem:$0x13380] =	vst v0  }
0xfa: {  	[tilespmem:$0x12B90] =	vst v0  }
0xfb: {  	[tilespmem:$0x13390] =	vst v0  }
0xfc: {  	[tilespmem:$0x12BA0] =	vst v0  }
0xfd: {  	[tilespmem:$0x133A0] =	vst v0  }
0xfe: {  	[tilespmem:$0x12BB0] =	vst v0  }
0xff: {  	[tilespmem:$0x133B0] =	vst v0  }
0x100: {  	[tilespmem:$0x12BC0] =	vst v0  }
0x101: {  	[tilespmem:$0x133C0] =	vst v0  }
0x102: {  	[tilespmem:$0x12BD0] =	vst v0  }
0x103: {  	[tilespmem:$0x133D0] =	vst v0  }
0x104: {  	[tilespmem:$0x12BE0] =	vst v0  }
0x105: {  	[tilespmem:$0x133E0] =	vst v0  }
0x106: {  	[tilespmem:$0x12BF0] =	vst v0  }
0x107: {  	[tilespmem:$0x133F0] =	vst v0  }
0x108: {  	[tilespmem:$0x12C00] =	vst v0  }
0x109: {  	[tilespmem:$0x13400] =	vst v0  }
0x10a: {  	[tilespmem:$0x12C10] =	vst v0  }
0x10b: {  	[tilespmem:$0x13410] =	vst v0  }
0x10c: {  	[tilespmem:$0x12C20] =	vst v0  }
0x10d: {  	[tilespmem:$0x13420] =	vst v0  }
0x10e: {  	[tilespmem:$0x12C30] =	vst v0  }
0x10f: {  	[tilespmem:$0x13430] =	vst v0  }
0x110: {  	[tilespmem:$0x12C40] =	vst v0;
	v2 =	vld [tilespmem:$0x0]  }
0x111: {  	[tilespmem:$0x13440] =	vst v0  }
0x112: {  	[tilespmem:$0x12C50] =	vst v0  }
0x113: {  	[tilespmem:$0x13450] =	vst v0  }
0x114: {  	[tilespmem:$0x12C60] =	vst v0  }
0x115: {  	[tilespmem:$0x13460] =	vst v0  }
0x116: {  	[tilespmem:$0x12C70] =	vst v0  }
0x117: {  	[tilespmem:$0x13470] =	vst v0  }
0x118: {  	[tilespmem:v2+s13+$0x0] =	vst.idx.add.f32.msk $0xffff, v1  }
0x119: {  	v2 =	vld [tilespmem:$0x10];
	_ =	sdelay $0x7  }
0x11a: {  	[tilespmem:v2+s13+$0x0] =	vst.idx.add.f32.msk $0xffff, v1  }
0x11b: {  	v2 =	vld [tilespmem:$0x20];
	_ =	sdelay $0x7  }
0x11c: {  	[tilespmem:v2+s13+$0x0] =	vst.idx.add.f32.msk $0xffff, v1  }
0x11d: {  	v2 =	vld [tilespmem:$0x30];
	_ =	sdelay $0x7  }
0x11e: {  	[tilespmem:v2+s13+$0x0] =	vst.idx.add.f32.msk $0xffff, v1  }
0x11f: {  	v2 =	vld [tilespmem:$0x40];
	_ =	sdelay $0x7  }
0x120: {  	[tilespmem:v2+s13+$0x0] =	vst.idx.add.f32.msk $0xffff, v1  }
0x121: {  	v2 =	vld [tilespmem:$0x50];
	_ =	sdelay $0x7  }
0x122: {  	[tilespmem:v2+s13+$0x0] =	vst.idx.add.f32.msk $0xffff, v1  }
0x123: {  	v2 =	vld [tilespmem:$0x60];
	_ =	sdelay $0x7  }
0x124: {  	[tilespmem:v2+s13+$0x0] =	vst.idx.add.f32.msk $0xffff, v1  }
0x125: {  	v2 =	vld [tilespmem:$0x70];
	_ =	sdelay $0x7  }
0x126: {  	[tilespmem:v2+s13+$0x0] =	vst.idx.add.f32.msk $0xffff, v1  }
0x127: {  	v2 =	vld [tilespmem:$0x80];
	_ =	sdelay $0x7  }
0x128: {  	[tilespmem:v2+s13+$0x0] =	vst.idx.add.f32.msk $0xffff, v1  }
0x129: {  	v2 =	vld [tilespmem:$0x90];
	_ =	sdelay $0x7  }
0x12a: {  	[tilespmem:v2+s13+$0x0] =	vst.idx.add.f32.msk $0xffff, v1  }
0x12b: {  	v2 =	vld [tilespmem:$0xA0];
	_ =	sdelay $0x7  }
0x12c: {  	[tilespmem:v2+s13+$0x0] =	vst.idx.add.f32.msk $0xffff, v1  }
0x12d: {  	v2 =	vld [tilespmem:$0xB0];
	_ =	sdelay $0x7  }
0x12e: {  	[tilespmem:v2+s13+$0x0] =	vst.idx.add.f32.msk $0xffff, v1  }
0x12f: {  	v2 =	vld [tilespmem:$0xC0];
	_ =	sdelay $0x7  }
0x130: {  	[tilespmem:v2+s13+$0x0] =	vst.idx.add.f32.msk $0xffff, v1  }
0x131: {  	v2 =	vld [tilespmem:$0xD0];
	_ =	sdelay $0x7  }
0x132: {  	[tilespmem:v2+s13+$0x0] =	vst.idx.add.f32.msk $0xffff, v1  }
0x133: {  	v2 =	vld [tilespmem:$0xE0];
	_ =	sdelay $0x7  }
0x134: {  	[tilespmem:v2+s13+$0x0] =	vst.idx.add.f32.msk $0xffff, v1  }
0x135: {  	v2 =	vld [tilespmem:$0xF0];
	_ =	sdelay $0x7  }
0x136: {  	[tilespmem:v2+s13+$0x0] =	vst.idx.add.f32.msk $0xffff, v1  }
0x137: {  	v2 =	vld [tilespmem:$0x100];
	_ =	sdelay $0x7  }
0x138: {  	[tilespmem:v2+s13+$0x0] =	vst.idx.add.f32.msk $0xffff, v1  }
0x139: {  	v2 =	vld [tilespmem:$0x110];
	_ =	sdelay $0x7  }
0x13a: {  	[tilespmem:v2+s13+$0x0] =	vst.idx.add.f32.msk $0xffff, v1  }
0x13b: {  	v2 =	vld [tilespmem:$0x120];
	_ =	sdelay $0x7  }
0x13c: {  	[tilespmem:v2+s13+$0x0] =	vst.idx.add.f32.msk $0xffff, v1  }
0x13d: {  	v2 =	vld [tilespmem:$0x130];
	_ =	sdelay $0x7  }
0x13e: {  	[tilespmem:v2+s13+$0x0] =	vst.idx.add.f32.msk $0xffff, v1  }
0x13f: {  	v2 =	vld [tilespmem:$0x140];
	_ =	sdelay $0x7  }
0x140: {  	[tilespmem:v2+s13+$0x0] =	vst.idx.add.f32.msk $0xffff, v1  }
0x141: {  	v2 =	vld [tilespmem:$0x150];
	_ =	sdelay $0x7  }
0x142: {  	[tilespmem:v2+s13+$0x0] =	vst.idx.add.f32.msk $0xffff, v1  }
0x143: {  	v2 =	vld [tilespmem:$0x160];
	_ =	sdelay $0x7  }
0x144: {  	[tilespmem:v2+s13+$0x0] =	vst.idx.add.f32.msk $0xffff, v1  }
0x145: {  	v2 =	vld [tilespmem:$0x170];
	_ =	sdelay $0x7  }
0x146: {  	[tilespmem:v2+s13+$0x0] =	vst.idx.add.f32.msk $0xffff, v1  }
0x147: {  	v2 =	vld [tilespmem:$0x180];
	_ =	sdelay $0x7  }
0x148: {  	[tilespmem:v2+s13+$0x0] =	vst.idx.add.f32.msk $0xffff, v1  }
0x149: {  	v2 =	vld [tilespmem:$0x190];
	_ =	sdelay $0x7  }
0x14a: {  	[tilespmem:v2+s13+$0x0] =	vst.idx.add.f32.msk $0xffff, v1  }
0x14b: {  	v2 =	vld [tilespmem:$0x1A0];
	_ =	sdelay $0x7  }
0x14c: {  	[tilespmem:v2+s13+$0x0] =	vst.idx.add.f32.msk $0xffff, v1  }
0x14d: {  	v2 =	vld [tilespmem:$0x1B0];
	_ =	sdelay $0x7  }
0x14e: {  	[tilespmem:v2+s13+$0x0] =	vst.idx.add.f32.msk $0xffff, v1  }
0x14f: {  	v2 =	vld [tilespmem:$0x1C0];
	_ =	sdelay $0x7  }
0x150: {  	[tilespmem:v2+s13+$0x0] =	vst.idx.add.f32.msk $0xffff, v1  }
0x151: {  	v2 =	vld [tilespmem:$0x1D0];
	_ =	sdelay $0x7  }
0x152: {  	[tilespmem:v2+s13+$0x0] =	vst.idx.add.f32.msk $0xffff, v1  }
0x153: {  	v2 =	vld [tilespmem:$0x1E0];
	_ =	sdelay $0x7  }
0x154: {  	[tilespmem:v2+s13+$0x0] =	vst.idx.add.f32.msk $0xffff, v1  }
0x155: {  	v2 =	vld [tilespmem:$0x1F0];
	_ =	sdelay $0x7  }
0x156: {  	[tilespmem:v2+s13+$0x0] =	vst.idx.add.f32.msk $0xffff, v1  }
0x157: {  	v2 =	vld [tilespmem:$0x200];
	_ =	sdelay $0x7  }
0x158: {  	[tilespmem:v2+s13+$0x0] =	vst.idx.add.f32.msk $0xffff, v1  }
0x159: {  	v2 =	vld [tilespmem:$0x210];
	_ =	sdelay $0x7  }
0x15a: {  	[tilespmem:v2+s13+$0x0] =	vst.idx.add.f32.msk $0xffff, v1  }
0x15b: {  	v2 =	vld [tilespmem:$0x220];
	_ =	sdelay $0x7  }
0x15c: {  	[tilespmem:v2+s13+$0x0] =	vst.idx.add.f32.msk $0xffff, v1  }
0x15d: {  	v2 =	vld [tilespmem:$0x230];
	_ =	sdelay $0x7  }
0x15e: {  	[tilespmem:v2+s13+$0x0] =	vst.idx.add.f32.msk $0xffff, v1  }
0x15f: {  	v2 =	vld [tilespmem:$0x240];
	_ =	sdelay $0x7  }
0x160: {  	[tilespmem:v2+s13+$0x0] =	vst.idx.add.f32.msk $0xffff, v1  }
0x161: {  	v2 =	vld [tilespmem:$0x250];
	_ =	sdelay $0x7  }
0x162: {  	[tilespmem:v2+s13+$0x0] =	vst.idx.add.f32.msk $0xffff, v1  }
0x163: {  	v2 =	vld [tilespmem:$0x260];
	_ =	sdelay $0x7  }
0x164: {  	[tilespmem:v2+s13+$0x0] =	vst.idx.add.f32.msk $0xffff, v1  }
0x165: {  	v2 =	vld [tilespmem:$0x270];
	_ =	sdelay $0x7  }
0x166: {  	[tilespmem:v2+s13+$0x0] =	vst.idx.add.f32.msk $0xffff, v1  }
0x167: {  	v2 =	vld [tilespmem:$0x280];
	_ =	sdelay $0x7  }
0x168: {  	[tilespmem:v2+s13+$0x0] =	vst.idx.add.f32.msk $0xffff, v1  }
0x169: {  	v2 =	vld [tilespmem:$0x290];
	_ =	sdelay $0x7  }
0x16a: {  	[tilespmem:v2+s13+$0x0] =	vst.idx.add.f32.msk $0xffff, v1  }
0x16b: {  	v2 =	vld [tilespmem:$0x2A0];
	_ =	sdelay $0x7  }
0x16c: {  	[tilespmem:v2+s13+$0x0] =	vst.idx.add.f32.msk $0xffff, v1  }
0x16d: {  	v2 =	vld [tilespmem:$0x2B0];
	_ =	sdelay $0x7  }
0x16e: {  	[tilespmem:v2+s13+$0x0] =	vst.idx.add.f32.msk $0xffff, v1  }
0x16f: {  	v2 =	vld [tilespmem:$0x2C0];
	_ =	sdelay $0x7  }
0x170: {  	[tilespmem:v2+s13+$0x0] =	vst.idx.add.f32.msk $0xffff, v1  }
0x171: {  	v2 =	vld [tilespmem:$0x2D0];
	_ =	sdelay $0x7  }
0x172: {  	[tilespmem:v2+s13+$0x0] =	vst.idx.add.f32.msk $0xffff, v1  }
0x173: {  	v2 =	vld [tilespmem:$0x2E0];
	_ =	sdelay $0x7  }
0x174: {  	[tilespmem:v2+s13+$0x0] =	vst.idx.add.f32.msk $0xffff, v1  }
0x175: {  	v2 =	vld [tilespmem:$0x2F0];
	_ =	sdelay $0x7  }
0x176: {  	[tilespmem:v2+s13+$0x0] =	vst.idx.add.f32.msk $0xffff, v1  }
0x177: {  	v2 =	vld [tilespmem:$0x300];
	_ =	sdelay $0x7  }
0x178: {  	[tilespmem:v2+s13+$0x0] =	vst.idx.add.f32.msk $0xffff, v1  }
0x179: {  	v2 =	vld [tilespmem:$0x310];
	_ =	sdelay $0x7  }
0x17a: {  	[tilespmem:v2+s13+$0x0] =	vst.idx.add.f32.msk $0xffff, v1  }
0x17b: {  	v2 =	vld [tilespmem:$0x320];
	_ =	sdelay $0x7  }
0x17c: {  	[tilespmem:v2+s13+$0x0] =	vst.idx.add.f32.msk $0xffff, v1  }
0x17d: {  	v2 =	vld [tilespmem:$0x330];
	_ =	sdelay $0x7  }
0x17e: {  	[tilespmem:v2+s13+$0x0] =	vst.idx.add.f32.msk $0xffff, v1  }
0x17f: {  	v2 =	vld [tilespmem:$0x340];
	_ =	sdelay $0x7  }
0x180: {  	[tilespmem:v2+s13+$0x0] =	vst.idx.add.f32.msk $0xffff, v1  }
0x181: {  	v2 =	vld [tilespmem:$0x350];
	_ =	sdelay $0x7  }
0x182: {  	[tilespmem:v2+s13+$0x0] =	vst.idx.add.f32.msk $0xffff, v1  }
0x183: {  	v2 =	vld [tilespmem:$0x360];
	_ =	sdelay $0x7  }
0x184: {  	[tilespmem:v2+s13+$0x0] =	vst.idx.add.f32.msk $0xffff, v1  }
0x185: {  	v2 =	vld [tilespmem:$0x370];
	_ =	sdelay $0x7  }
0x186: {  	[tilespmem:v2+s13+$0x0] =	vst.idx.add.f32.msk $0xffff, v1  }
0x187: {  	v2 =	vld [tilespmem:$0x380];
	_ =	sdelay $0x7  }
0x188: {  	[tilespmem:v2+s13+$0x0] =	vst.idx.add.f32.msk $0xffff, v1  }
0x189: {  	v2 =	vld [tilespmem:$0x390];
	_ =	sdelay $0x7  }
0x18a: {  	[tilespmem:v2+s13+$0x0] =	vst.idx.add.f32.msk $0xffff, v1  }
0x18b: {  	v2 =	vld [tilespmem:$0x3A0];
	_ =	sdelay $0x7  }
0x18c: {  	[tilespmem:v2+s13+$0x0] =	vst.idx.add.f32.msk $0xffff, v1  }
0x18d: {  	v2 =	vld [tilespmem:$0x3B0];
	_ =	sdelay $0x7  }
0x18e: {  	[tilespmem:v2+s13+$0x0] =	vst.idx.add.f32.msk $0xffff, v1  }
0x18f: {  	v2 =	vld [tilespmem:$0x3C0];
	_ =	sdelay $0x7  }
0x190: {  	[tilespmem:v2+s13+$0x0] =	vst.idx.add.f32.msk $0xffff, v1  }
0x191: {  	v2 =	vld [tilespmem:$0x3D0];
	_ =	sdelay $0x7  }
0x192: {  	[tilespmem:v2+s13+$0x0] =	vst.idx.add.f32.msk $0xffff, v1  }
0x193: {  	v2 =	vld [tilespmem:$0x3E0];
	_ =	sdelay $0x7  }
0x194: {  	[tilespmem:v2+s13+$0x0] =	vst.idx.add.f32.msk $0xffff, v1  }
0x195: {  	v2 =	vld [tilespmem:$0x3F0];
	_ =	sdelay $0x7  }
0x196: {  	[tilespmem:v2+s13+$0x0] =	vst.idx.add.f32.msk $0xffff, v1  }
0x197: {  	v2 =	vld [tilespmem:$0x400];
	_ =	sdelay $0x7  }
0x198: {  	[tilespmem:v2+s13+$0x0] =	vst.idx.add.f32.msk $0xffff, v1  }
0x199: {  	v2 =	vld [tilespmem:$0x410];
	_ =	sdelay $0x7  }
0x19a: {  	[tilespmem:v2+s13+$0x0] =	vst.idx.add.f32.msk $0xffff, v1  }
0x19b: {  	v2 =	vld [tilespmem:$0x420];
	_ =	sdelay $0x7  }
0x19c: {  	[tilespmem:v2+s13+$0x0] =	vst.idx.add.f32.msk $0xffff, v1  }
0x19d: {  	v2 =	vld [tilespmem:$0x430];
	_ =	sdelay $0x7  }
0x19e: {  	[tilespmem:v2+s13+$0x0] =	vst.idx.add.f32.msk $0xffff, v1  }
0x19f: {  	v2 =	vld [tilespmem:$0x440];
	_ =	sdelay $0x7  }
0x1a0: {  	[tilespmem:v2+s13+$0x0] =	vst.idx.add.f32.msk $0xffff, v1  }
0x1a1: {  	v2 =	vld [tilespmem:$0x450];
	_ =	sdelay $0x7  }
0x1a2: {  	[tilespmem:v2+s13+$0x0] =	vst.idx.add.f32.msk $0xffff, v1  }
0x1a3: {  	v2 =	vld [tilespmem:$0x460];
	_ =	sdelay $0x7  }
0x1a4: {  	[tilespmem:v2+s13+$0x0] =	vst.idx.add.f32.msk $0xffff, v1  }
0x1a5: {  	v2 =	vld [tilespmem:$0x470];
	_ =	sdelay $0x4  }
0x1a6: {  	v3 =	vlaneseq.u32 @p0;
	_ =	sdelay $0x2  }
0x1a7: {  	[tilespmem:v2+s13+$0x0] =	vst.idx.add.f32.msk $0xffff, v1  }
0x1a8: {  	s17 =	simm.s32 @p0 $0x12480;
	[bflag:$0x0] =	sbarrier.arrive @p0 $0xFFFF  }
0x1a9: {  	[spmem:s2] =	stream.indirect_vreg.scatter.add.f32 @p0 [tilespmem:s17], [sflag:$0x4], $0x80, v3, vm0, $0xb8;
	[tilespmem:$0x13500] =	vst v63  }
0x1aa: {  	s17 =	simm.s32 @p0 $0x4  }
0x1ab: {  	_ =	swait.ge @p0 [sflag:s17], $0x800  }
0x1ac: {  	[sflag:s17] =	ssyncset.done @p0 $0x0  }
0x1ad: {  	[sflag:s17] =	ssyncadd.s32 @p0 $0xFFFFF800  }
0x1ae: {  	s17 =	simm.s32 @!p0 $0x12C80;
	[bflag:$0x0] =	sbarrier.arrive @p0 $0xFFFF  }
0x1af: {  	[spmem:s2] =	stream.linear.scatter @!p0 [tilespmem:s17], [sflag:$0x4], $0x800, $0x38;
	[tilespmem:$0x13500] =	vst v63  }
0x1b0: {  	v2 =	vlaneseq.u32 @!p0;
	s17 =	simm.s32 @!p0 $0x4  }
0x1b1: {  	_ =	swait.ge @!p0 [sflag:s17], $0x800  }
0x1b2: {  	[sflag:s17] =	ssyncset.done @!p0 $0x0  }
0x1b3: {  	[sflag:s17] =	ssyncadd.s32 @!p0 $0xFFFFF800  }
0x1b4: {  	s18 =	simm.s32 @!p0 $0x12480;
	[bflag:$0x0] =	sbarrier.arrive @!p0 $0xFFFF  }
0x1b5: {  	[spmem:s2] =	stream.indirect_vreg.scatter.add.f32 @!p0 [tilespmem:s18], [sflag:$0x4], $0x80, v2, vm1, $0xb8;
	[tilespmem:$0x13500] =	vst v63  }
0x1b6: {  	_ =	swait.ge @!p0 [sflag:s17], $0x800  }
0x1b7: {  	[sflag:s17] =	ssyncset.done @!p0 $0x0  }
0x1b8: {  	[sflag:s17] =	ssyncadd.s32 @!p0 $0xFFFFF800  }
0x1b9: {  	[bflag:$0x0] =	sbarrier.arrive @!p0 $0xFFFF  }
0x1ba: {  	[tilespmem:s18], [sflag:$0x4] =	stream.linear.gather @!p0 [spmem:s2], $0x800, $0x38;
	[tilespmem:$0x13500] =	vst v63  }
0x1bb: {  	_ =	swait.ge @!p0 [sflag:s17], $0x800  }
0x1bc: {  	[sflag:s17] =	ssyncset.done @!p0 $0x0  }
0x1bd: {  	s19 =	simm.s32 @!p0 $0x0;
	[sflag:s17] =	ssyncadd.s32 @!p0 $0xFFFFF800  }
0x1be: {  	[hbm4b:s5+s19] =	stream.linear.scatter @!p0 [tilespmem:s18], [sflag:$0x4], $0x800, $0x38;
	[tilespmem:$0x13500] =	vst v63  }
0x1bf: {  	_ =	swait.ge @!p0 [sflag:s17], $0x800  }
0x1c0: {  	[sflag:s17] =	ssyncset.done @!p0 $0x0  }
0x1c1: {  	[sflag:s17] =	ssyncadd.s32 @!p0 $0xFFFFF800  }
0x1c2: {  	_ =	swait.ge [sflag:s14], $0x9000  }
0x1c3: {  	[sflag:s14] =	ssyncset.done $0x0  }
0x1c4: {  	[sflag:s14] =	ssyncadd.s32 $0xFFFF7000  }
0x1c5: {  	[hbm4b:s6+s3] =	stream.linear.scatter [tilespmem:s11], [sflag:$0x3], $0x9000, $0x38;
	[tilespmem:$0x13500] =	vst v63  }
0x1c6: {  	_ =	swait.ge [sflag:s15], $0x9000  }
0x1c7: {  	[sflag:s15] =	ssyncset.done $0x0  }
0x1c8: {  	s8 =	sadd.s32 $0xFFFFFFFF, s8;
	[sflag:s15] =	ssyncadd.s32 $0xFFFF7000  }
0x1c9: {  	[hbm4b:s7+s3] =	stream.linear.scatter [tilespmem:s12], [sflag:$0x3], $0x9000, $0x38;
	[tilespmem:$0x13500] =	vst v63  }
0x1ca: {  	p1 =	sne.s32 s8, $0x0;
	_ =	swait.ge [sflag:s16], $0x9000  }
.Ltmp0:
0x1cb: {  	[sflag:s16] =	ssyncset.done $0x0;
	(pc) =	sbr.rel @p1 .LBB2_1-.Ltmp0, $4  }
0x1cc: {  	[sflag:s16] =	ssyncadd.s32 $0xFFFF7000  }
0x1cd: {  	_ =	swait.ge [sflag:s16], $0x9000  }
0x1ce: {  	[sflag:s16] =	ssyncset.done $0x0  }
0x1cf: {  	[sflag:s16] =	ssyncadd.s32 $0xFFFF7000  }
0x1d0: {  	_ =	sfence.sel $0x180000  }
0x1d1: {  	[bflag:$0x0] =	sbarrier.arrive $0xFFFF  }
0x1d2: {  	_ =	strace $0x90000047  }
0x1d3: {  	s0 =	sadd.s32 @!p0 $0x100000, s0;
	[bflag:$0x2] =	sbarrier.arrive $0xFFFF  }
0x1d4: {  	[sflag:s0] =	ssyncadd.tile.s32 @!p0 $0x1;
	_ =	shalt  }
.Lfunc_end2:
_tile_overlayer_lowered:
.L_overlay_start_2:
0x1d5: {  	(tag) =	ssettag $0x2  }
0x1d6: {  	s0 =	rddreg [dreg:$0x0];
	s2 =	stileid.u32  }
0x1d7: {  	s1 =	rddreg [dreg:$0x1];
	p0 =	sne.s32 s2, $0x0  }
0x1d8: {  	s3 =	rddreg [dreg:$0x2];
	[bflag:$0x3] =	sbarrier.arrive $0xFFFF;
	s2 =	simm.s32 @!p0 $0x1C04  }
0x1d9: {  	[timem:s3], [sflag:s2] =	dma.local @!p0 [hbm:s0], s1  }
0x1da: {  	s0 =	simm.s32 @!p0 $0x4  }
0x1db: {  	_ =	swait.ge @!p0 [sflag:s0], s1  }
0x1dc: {  	s1 =	ssub.s32 @!p0 $0x0, s1;
	[sflag:s0] =	ssyncset.done @!p0 $0x0  }
0x1dd: {  	[sflag:s0] =	ssyncadd.s32 @!p0 s1  }
0x1de: {  	[bflag:$0x3] =	sbarrier.arrive $0xFFFF  }
0x1df: {  	_ =	shalt  }

</sc_bundles>
